<compile_context>
chip_gen: v7x
topology: tpu7x:2x2x1
jax: 0.10.2.dev20260603
libtpu: 0.0.44.dev20260713+nightly
codegen_flags: <defaults>
</compile_context>

<pallas_src>
import functools

import jax
import jax.numpy as jnp
from jax import lax
from jax.experimental import pallas as pl
from jax.experimental.pallas import tpu as pltpu
from jax.experimental.pallas import tpu_sc as plsc

VOCAB = 1000001
EMBED_DIM = 32
BATCH = 16384

_NC = 2
_NS = 16
_NW = _NC * _NS
_B_PER_W = BATCH // _NW
_G = 8
_NGROUP = _B_PER_W // _G

_mesh = plsc.VectorSubcoreMesh(core_axis_name="c", subcore_axis_name="s")


@functools.partial(
    pl.kernel,
    mesh=_mesh,
    out_type=jax.ShapeDtypeStruct((EMBED_DIM, BATCH), jnp.float32),
    scratch_types=[
        pltpu.VMEM((_B_PER_W + 16,), jnp.int32),
    ] + [
        pltpu.VMEM((EMBED_DIM, 128), jnp.float32)
        for _ in range(2 * _G)
    ] + [
        pltpu.VMEM((EMBED_DIM, _B_PER_W), jnp.float32),
        pltpu.SemaphoreType.DMA,
        pltpu.SemaphoreType.DMA,
    ],
    compiler_params=pltpu.CompilerParams(needs_layout_passes=False),
)
def _colgather_kernel(idx_hbm, table_t_hbm, out_t_hbm,
                      idx_v, *rest):
    slots = [list(rest[0:_G]), list(rest[_G:2 * _G])]
    out_block, sem0, sem1 = rest[2 * _G], rest[2 * _G + 1], rest[2 * _G + 2]
    wid = lax.axis_index("s") * _NC + lax.axis_index("c")
    base = wid * _B_PER_W
    pltpu.sync_copy(idx_hbm.at[pl.ds(base, _B_PER_W)], idx_v.at[pl.ds(0, _B_PER_W)])
    idx_v[pl.ds(_B_PER_W, 16)] = jnp.zeros((16,), jnp.int32)

    lanes16 = lax.iota(jnp.int32, 16)

    def fire(g, bank, sem):
        gb = g * _G
        cvec = idx_v[pl.ds(gb, 16)]
        for i in range(_G):
            c = cvec[i]
            off = lax.shift_left(lax.shift_right_logical(c, 7), 7)
            off = pl.multiple_of(off, 128)
            pltpu.async_copy(
                table_t_hbm.at[:, pl.ds(off, 128)],
                slots[bank][i],
                sem,
            )

    def drain(bank, sem):
        for i in range(_G):
            pltpu.make_async_copy(
                table_t_hbm.at[:, pl.ds(0, 128)],
                slots[bank][i],
                sem,
            ).wait()

    def extract(g, bank):
        gb = g * _G
        for i in range(_G):
            c_b = plsc.load_gather(idx_v, [jnp.full((16,), gb + i, jnp.int32)])
            lane_b = lax.bitwise_and(c_b, jnp.int32(127))
            col_b = jnp.full((16,), gb + i, jnp.int32)
            lo = plsc.load_gather(slots[bank][i], [lanes16, lane_b])
            hi = plsc.load_gather(slots[bank][i], [lanes16 + 16, lane_b])
            plsc.store_scatter(out_block, [lanes16, col_b], lo)
            plsc.store_scatter(out_block, [lanes16 + 16, col_b], hi)

    fire(0, 0, sem0)

    def body(j, carry):
        g0 = 2 * j
        fire(g0 + 1, 1, sem1)
        drain(0, sem0)
        extract(g0, 0)
        g_next = lax.rem(g0 + 2, _NGROUP)
        fire(g_next, 0, sem0)
        drain(1, sem1)
        extract(g0 + 1, 1)
        return carry

    lax.fori_loop(0, _NGROUP // 2, body, 0)
    drain(0, sem0)

    pltpu.sync_copy(out_block, out_t_hbm.at[:, pl.ds(base, _B_PER_W)])


def kernel(inputs, table):
    idx = inputs.astype(jnp.int32)
    out_t = _colgather_kernel(idx, table.T)
    return out_t.T

# --- scband reference (transcript-rebuilt; emitter-appended) ---
"""Pipeline reference for scband-user-model-70274254897714 (READ-ONLY COPY).

The authoritative reference and input builder live on the scoring server;
editing this copy changes nothing except your own understanding.
"""

import jax, jax.numpy as jnp
import numpy as np

VOCAB = 1000001  # len(users_vocab_str) + 1 (StringLookup OOV/mask offset)
EMBED_DIM = 32
BATCH = 16384

def setup_inputs(seed: int = 0) -> dict:
    key = jax.random.key(seed)
    k1, k2 = jax.random.split(key)
    inputs = jax.random.randint(k1, (BATCH,), 0, VOCAB, dtype=jnp.int64) if jax.config.jax_enable_x64 else jax.random.randint(k1, (BATCH,), 0, VOCAB, dtype=jnp.int32)
    table = jax.random.normal(k2, (VOCAB, EMBED_DIM), dtype=jnp.float32) * 0.05
    return {"inputs": inputs, "table": table}

def reference(inputs, table):
    # Original: StringLookup maps string user_id -> int index; Embedding gathers rows.
    # Here the string->int lookup is pre-applied; forward is a pure embedding gather.
    emb = jnp.take(table, inputs, axis=0)  # [B, 32]
    # tf.concat([emb], axis=1) with a single tensor is identity
    out = jnp.concatenate([emb], axis=1)
    return out

if __name__ == "__main__":
    import jax
    _d = setup_inputs()
    print(jax.jit(kernel)(*tuple(_d.values())))

</pallas_src>

<mosaic_0001>
#map = affine_map<(d0, d1) -> (0)>
#map1 = affine_map<(d0, d1) -> (0, 0)>
module attributes {stable_mosaic.version = 14 : i64} {
  func.func @_colgather_kernel(%arg0: i32, %arg1: i32, %arg2: memref<16384xi32, #tpu.memory_space<hbm>>, %arg3: memref<32x1000001xf32, #tpu.memory_space<hbm>>, %arg4: memref<32x16384xf32, #tpu.memory_space<hbm>>, %arg5: memref<528xi32, #tpu.memory_space<vmem>>, %arg6: memref<32x128xf32, #tpu.memory_space<vmem>>, %arg7: memref<32x128xf32, #tpu.memory_space<vmem>>, %arg8: memref<32x128xf32, #tpu.memory_space<vmem>>, %arg9: memref<32x128xf32, #tpu.memory_space<vmem>>, %arg10: memref<32x128xf32, #tpu.memory_space<vmem>>, %arg11: memref<32x128xf32, #tpu.memory_space<vmem>>, %arg12: memref<32x128xf32, #tpu.memory_space<vmem>>, %arg13: memref<32x128xf32, #tpu.memory_space<vmem>>, %arg14: memref<32x128xf32, #tpu.memory_space<vmem>>, %arg15: memref<32x128xf32, #tpu.memory_space<vmem>>, %arg16: memref<32x128xf32, #tpu.memory_space<vmem>>, %arg17: memref<32x128xf32, #tpu.memory_space<vmem>>, %arg18: memref<32x128xf32, #tpu.memory_space<vmem>>, %arg19: memref<32x128xf32, #tpu.memory_space<vmem>>, %arg20: memref<32x128xf32, #tpu.memory_space<vmem>>, %arg21: memref<32x128xf32, #tpu.memory_space<vmem>>, %arg22: memref<32x512xf32, #tpu.memory_space<vmem>>, %arg23: memref<!tpu.dma_semaphore, #tpu.memory_space<semaphore_mem>>, %arg24: memref<!tpu.dma_semaphore, #tpu.memory_space<semaphore_mem>>) attributes {dimension_semantics = [#tpu.dimension_semantics<core_parallel>, #tpu.dimension_semantics<subcore_parallel>], iteration_bounds = array<i64: 2, 16>, scalar_prefetch = 0 : i64, scratch_operands = 20 : i64, tpu.core_type = #tpu.core_type<sc_vector_subcore>, window_params = [{transform_indices = #map}, {transform_indices = #map1}, {transform_indices = #map1}]} {
    %mul3A = arith.constant 2 : i32
    %mul3A_0 = arith.muli %arg1, %mul3A : i32
    %add3A = arith.addi %mul3A_0, %arg0 : i32
    %mul3A_1 = arith.constant 512 : i32
    %mul3A_2 = arith.muli %add3A, %mul3A_1 : i32
    "tpu.region"() ({
      %run_scoped3A = tpu.sem_alloc : memref<!tpu.dma_semaphore, #tpu.memory_space<semaphore_mem>>
      %dma_start3A_140 = arith.constant 0 : i32
      %dma_start3A_141 = tpu.memref_slice %arg5[%dma_start3A_140] : memref<528xi32, #tpu.memory_space<vmem>> -> memref<512xi32, #tpu.memory_space<vmem>>
      %dma_start3A_142 = tpu.memref_slice %arg2[%mul3A_2] : memref<16384xi32, #tpu.memory_space<hbm>> -> memref<512xi32, #tpu.memory_space<hbm>>
      %dma_start3A_143 = arith.constant 0 : i32
      %dma_start3A_144 = tpu.memref_slice %arg5[%dma_start3A_143] : memref<528xi32, #tpu.memory_space<vmem>> -> memref<512xi32, #tpu.memory_space<vmem>>
      %dma_start3A_145 = tpu.memref_slice %arg2[%mul3A_2] : memref<16384xi32, #tpu.memory_space<hbm>> -> memref<512xi32, #tpu.memory_space<hbm>>
      tpu.enqueue_dma source(%dma_start3A_145 : memref<512xi32, #tpu.memory_space<hbm>>) target(%dma_start3A_144 : memref<512xi32, #tpu.memory_space<vmem>>) target_semaphore(%run_scoped3A : memref<!tpu.dma_semaphore, #tpu.memory_space<semaphore_mem>>)
      %dma_wait3A_146 = arith.constant 0 : i32
      %dma_wait3A_147 = tpu.memref_slice %arg5[%dma_wait3A_146] : memref<528xi32, #tpu.memory_space<vmem>> -> memref<512xi32, #tpu.memory_space<vmem>>
      %dma_wait3A_148 = tpu.memref_slice %arg2[%mul3A_2] : memref<16384xi32, #tpu.memory_space<hbm>> -> memref<512xi32, #tpu.memory_space<hbm>>
      %dma_wait3A_149 = arith.constant 0 : i32
      %dma_wait3A_150 = tpu.memref_slice %arg5[%dma_wait3A_149] : memref<528xi32, #tpu.memory_space<vmem>> -> memref<512xi32, #tpu.memory_space<vmem>>
      %dma_wait3A_151 = tpu.memref_slice %arg2[%mul3A_2] : memref<16384xi32, #tpu.memory_space<hbm>> -> memref<512xi32, #tpu.memory_space<hbm>>
      tpu.wait_dma2 semaphore(%run_scoped3A : memref<!tpu.dma_semaphore, #tpu.memory_space<semaphore_mem>>) src(%dma_wait3A_151 : memref<512xi32, #tpu.memory_space<hbm>>) dst(%dma_wait3A_150 : memref<512xi32, #tpu.memory_space<vmem>>)
      tpu.yield
    }) : () -> ()
    %broadcast_in_dim3A = arith.constant 0 : i32
    %broadcast_in_dim3A_3 = vector.broadcast %broadcast_in_dim3A : i32 to vector<16xi32>
    %swap3A = arith.constant 512 : index
    %swap3A_4 = tpu.vector_load %arg5[%swap3A] {strides = array<i32>} : memref<528xi32, #tpu.memory_space<vmem>>, vector<16xi32>,
    tpu.vector_store %arg5[%swap3A], %broadcast_in_dim3A_3 {strides = array<i32>} : memref<528xi32, #tpu.memory_space<vmem>>, vector<16xi32>,
    %iota3A = tpu.iota {dimensions = array<i32: 0>} : vector<16xi32>
    %get3A = arith.constant 0 : index
    %get3A_5 = tpu.vector_load %arg5[%get3A] {strides = array<i32>} : memref<528xi32, #tpu.memory_space<vmem>>, vector<16xi32>,
    %slice3A = vector.extract_strided_slice %get3A_5 {offsets = [0], sizes = [1], strides = [1]} : vector<16xi32> to vector<1xi32>
    %squeeze3A = vector.extract %slice3A[0] : i32 from vector<1xi32>
    %shift_right_logical3A = arith.constant 7 : i32
    %shift_right_logical3A_6 = arith.shrui %squeeze3A, %shift_right_logical3A : i32
    %shift_left3A = arith.constant 7 : i32
    %shift_left3A_7 = arith.shli %shift_right_logical3A_6, %shift_left3A : i32
    %multiple_of3A = tpu.assume_multiple %shift_left3A_7, 128 : i32
    %dma_start3A = arith.constant 0 : i32
    %dma_start3A_8 = tpu.memref_slice %arg3[%dma_start3A, %multiple_of3A] : memref<32x1000001xf32, #tpu.memory_space<hbm>> -> memref<32x128xf32, #tpu.memory_space<hbm>>
    %dma_start3A_9 = arith.constant 0 : i32
    %dma_start3A_10 = tpu.memref_slice %arg3[%dma_start3A_9, %multiple_of3A] : memref<32x1000001xf32, #tpu.memory_space<hbm>> -> memref<32x128xf32, #tpu.memory_space<hbm>>
    tpu.enqueue_dma source(%dma_start3A_10 : memref<32x128xf32, #tpu.memory_space<hbm>>) target(%arg6 : memref<32x128xf32, #tpu.memory_space<vmem>>) target_semaphore(%arg23 : memref<!tpu.dma_semaphore, #tpu.memory_space<semaphore_mem>>)
    %slice3A_11 = vector.extract_strided_slice %get3A_5 {offsets = [1], sizes = [1], strides = [1]} : vector<16xi32> to vector<1xi32>
    %squeeze3A_12 = vector.extract %slice3A_11[0] : i32 from vector<1xi32>
    %shift_right_logical3A_13 = arith.constant 7 : i32
    %shift_right_logical3A_14 = arith.shrui %squeeze3A_12, %shift_right_logical3A_13 : i32
    %shift_left3A_15 = arith.constant 7 : i32
    %shift_left3A_16 = arith.shli %shift_right_logical3A_14, %shift_left3A_15 : i32
    %multiple_of3A_17 = tpu.assume_multiple %shift_left3A_16, 128 : i32
    %dma_start3A_18 = arith.constant 0 : i32
    %dma_start3A_19 = tpu.memref_slice %arg3[%dma_start3A_18, %multiple_of3A_17] : memref<32x1000001xf32, #tpu.memory_space<hbm>> -> memref<32x128xf32, #tpu.memory_space<hbm>>
    %dma_start3A_20 = arith.constant 0 : i32
    %dma_start3A_21 = tpu.memref_slice %arg3[%dma_start3A_20, %multiple_of3A_17] : memref<32x1000001xf32, #tpu.memory_space<hbm>> -> memref<32x128xf32, #tpu.memory_space<hbm>>
    tpu.enqueue_dma source(%dma_start3A_21 : memref<32x128xf32, #tpu.memory_space<hbm>>) target(%arg7 : memref<32x128xf32, #tpu.memory_space<vmem>>) target_semaphore(%arg23 : memref<!tpu.dma_semaphore, #tpu.memory_space<semaphore_mem>>)
    %slice3A_22 = vector.extract_strided_slice %get3A_5 {offsets = [2], sizes = [1], strides = [1]} : vector<16xi32> to vector<1xi32>
    %squeeze3A_23 = vector.extract %slice3A_22[0] : i32 from vector<1xi32>
    %shift_right_logical3A_24 = arith.constant 7 : i32
    %shift_right_logical3A_25 = arith.shrui %squeeze3A_23, %shift_right_logical3A_24 : i32
    %shift_left3A_26 = arith.constant 7 : i32
    %shift_left3A_27 = arith.shli %shift_right_logical3A_25, %shift_left3A_26 : i32
    %multiple_of3A_28 = tpu.assume_multiple %shift_left3A_27, 128 : i32
    %dma_start3A_29 = arith.constant 0 : i32
    %dma_start3A_30 = tpu.memref_slice %arg3[%dma_start3A_29, %multiple_of3A_28] : memref<32x1000001xf32, #tpu.memory_space<hbm>> -> memref<32x128xf32, #tpu.memory_space<hbm>>
    %dma_start3A_31 = arith.constant 0 : i32
    %dma_start3A_32 = tpu.memref_slice %arg3[%dma_start3A_31, %multiple_of3A_28] : memref<32x1000001xf32, #tpu.memory_space<hbm>> -> memref<32x128xf32, #tpu.memory_space<hbm>>
    tpu.enqueue_dma source(%dma_start3A_32 : memref<32x128xf32, #tpu.memory_space<hbm>>) target(%arg8 : memref<32x128xf32, #tpu.memory_space<vmem>>) target_semaphore(%arg23 : memref<!tpu.dma_semaphore, #tpu.memory_space<semaphore_mem>>)
    %slice3A_33 = vector.extract_strided_slice %get3A_5 {offsets = [3], sizes = [1], strides = [1]} : vector<16xi32> to vector<1xi32>
    %squeeze3A_34 = vector.extract %slice3A_33[0] : i32 from vector<1xi32>
    %shift_right_logical3A_35 = arith.constant 7 : i32
    %shift_right_logical3A_36 = arith.shrui %squeeze3A_34, %shift_right_logical3A_35 : i32
    %shift_left3A_37 = arith.constant 7 : i32
    %shift_left3A_38 = arith.shli %shift_right_logical3A_36, %shift_left3A_37 : i32
    %multiple_of3A_39 = tpu.assume_multiple %shift_left3A_38, 128 : i32
    %dma_start3A_40 = arith.constant 0 : i32
    %dma_start3A_41 = tpu.memref_slice %arg3[%dma_start3A_40, %multiple_of3A_39] : memref<32x1000001xf32, #tpu.memory_space<hbm>> -> memref<32x128xf32, #tpu.memory_space<hbm>>
    %dma_start3A_42 = arith.constant 0 : i32
    %dma_start3A_43 = tpu.memref_slice %arg3[%dma_start3A_42, %multiple_of3A_39] : memref<32x1000001xf32, #tpu.memory_space<hbm>> -> memref<32x128xf32, #tpu.memory_space<hbm>>
    tpu.enqueue_dma source(%dma_start3A_43 : memref<32x128xf32, #tpu.memory_space<hbm>>) target(%arg9 : memref<32x128xf32, #tpu.memory_space<vmem>>) target_semaphore(%arg23 : memref<!tpu.dma_semaphore, #tpu.memory_space<semaphore_mem>>)
    %slice3A_44 = vector.extract_strided_slice %get3A_5 {offsets = [4], sizes = [1], strides = [1]} : vector<16xi32> to vector<1xi32>
    %squeeze3A_45 = vector.extract %slice3A_44[0] : i32 from vector<1xi32>
    %shift_right_logical3A_46 = arith.constant 7 : i32
    %shift_right_logical3A_47 = arith.shrui %squeeze3A_45, %shift_right_logical3A_46 : i32
    %shift_left3A_48 = arith.constant 7 : i32
    %shift_left3A_49 = arith.shli %shift_right_logical3A_47, %shift_left3A_48 : i32
    %multiple_of3A_50 = tpu.assume_multiple %shift_left3A_49, 128 : i32
    %dma_start3A_51 = arith.constant 0 : i32
    %dma_start3A_52 = tpu.memref_slice %arg3[%dma_start3A_51, %multiple_of3A_50] : memref<32x1000001xf32, #tpu.memory_space<hbm>> -> memref<32x128xf32, #tpu.memory_space<hbm>>
    %dma_start3A_53 = arith.constant 0 : i32
    %dma_start3A_54 = tpu.memref_slice %arg3[%dma_start3A_53, %multiple_of3A_50] : memref<32x1000001xf32, #tpu.memory_space<hbm>> -> memref<32x128xf32, #tpu.memory_space<hbm>>
    tpu.enqueue_dma source(%dma_start3A_54 : memref<32x128xf32, #tpu.memory_space<hbm>>) target(%arg10 : memref<32x128xf32, #tpu.memory_space<vmem>>) target_semaphore(%arg23 : memref<!tpu.dma_semaphore, #tpu.memory_space<semaphore_mem>>)
    %slice3A_55 = vector.extract_strided_slice %get3A_5 {offsets = [5], sizes = [1], strides = [1]} : vector<16xi32> to vector<1xi32>
    %squeeze3A_56 = vector.extract %slice3A_55[0] : i32 from vector<1xi32>
    %shift_right_logical3A_57 = arith.constant 7 : i32
    %shift_right_logical3A_58 = arith.shrui %squeeze3A_56, %shift_right_logical3A_57 : i32
    %shift_left3A_59 = arith.constant 7 : i32
    %shift_left3A_60 = arith.shli %shift_right_logical3A_58, %shift_left3A_59 : i32
    %multiple_of3A_61 = tpu.assume_multiple %shift_left3A_60, 128 : i32
    %dma_start3A_62 = arith.constant 0 : i32
    %dma_start3A_63 = tpu.memref_slice %arg3[%dma_start3A_62, %multiple_of3A_61] : memref<32x1000001xf32, #tpu.memory_space<hbm>> -> memref<32x128xf32, #tpu.memory_space<hbm>>
    %dma_start3A_64 = arith.constant 0 : i32
    %dma_start3A_65 = tpu.memref_slice %arg3[%dma_start3A_64, %multiple_of3A_61] : memref<32x1000001xf32, #tpu.memory_space<hbm>> -> memref<32x128xf32, #tpu.memory_space<hbm>>
    tpu.enqueue_dma source(%dma_start3A_65 : memref<32x128xf32, #tpu.memory_space<hbm>>) target(%arg11 : memref<32x128xf32, #tpu.memory_space<vmem>>) target_semaphore(%arg23 : memref<!tpu.dma_semaphore, #tpu.memory_space<semaphore_mem>>)
    %slice3A_66 = vector.extract_strided_slice %get3A_5 {offsets = [6], sizes = [1], strides = [1]} : vector<16xi32> to vector<1xi32>
    %squeeze3A_67 = vector.extract %slice3A_66[0] : i32 from vector<1xi32>
    %shift_right_logical3A_68 = arith.constant 7 : i32
    %shift_right_logical3A_69 = arith.shrui %squeeze3A_67, %shift_right_logical3A_68 : i32
    %shift_left3A_70 = arith.constant 7 : i32
    %shift_left3A_71 = arith.shli %shift_right_logical3A_69, %shift_left3A_70 : i32
    %multiple_of3A_72 = tpu.assume_multiple %shift_left3A_71, 128 : i32
    %dma_start3A_73 = arith.constant 0 : i32
    %dma_start3A_74 = tpu.memref_slice %arg3[%dma_start3A_73, %multiple_of3A_72] : memref<32x1000001xf32, #tpu.memory_space<hbm>> -> memref<32x128xf32, #tpu.memory_space<hbm>>
    %dma_start3A_75 = arith.constant 0 : i32
    %dma_start3A_76 = tpu.memref_slice %arg3[%dma_start3A_75, %multiple_of3A_72] : memref<32x1000001xf32, #tpu.memory_space<hbm>> -> memref<32x128xf32, #tpu.memory_space<hbm>>
    tpu.enqueue_dma source(%dma_start3A_76 : memref<32x128xf32, #tpu.memory_space<hbm>>) target(%arg12 : memref<32x128xf32, #tpu.memory_space<vmem>>) target_semaphore(%arg23 : memref<!tpu.dma_semaphore, #tpu.memory_space<semaphore_mem>>)
    %slice3A_77 = vector.extract_strided_slice %get3A_5 {offsets = [7], sizes = [1], strides = [1]} : vector<16xi32> to vector<1xi32>
    %squeeze3A_78 = vector.extract %slice3A_77[0] : i32 from vector<1xi32>
    %shift_right_logical3A_79 = arith.constant 7 : i32
    %shift_right_logical3A_80 = arith.shrui %squeeze3A_78, %shift_right_logical3A_79 : i32
    %shift_left3A_81 = arith.constant 7 : i32
    %shift_left3A_82 = arith.shli %shift_right_logical3A_80, %shift_left3A_81 : i32
    %multiple_of3A_83 = tpu.assume_multiple %shift_left3A_82, 128 : i32
    %dma_start3A_84 = arith.constant 0 : i32
    %dma_start3A_85 = tpu.memref_slice %arg3[%dma_start3A_84, %multiple_of3A_83] : memref<32x1000001xf32, #tpu.memory_space<hbm>> -> memref<32x128xf32, #tpu.memory_space<hbm>>
    %dma_start3A_86 = arith.constant 0 : i32
    %dma_start3A_87 = tpu.memref_slice %arg3[%dma_start3A_86, %multiple_of3A_83] : memref<32x1000001xf32, #tpu.memory_space<hbm>> -> memref<32x128xf32, #tpu.memory_space<hbm>>
    tpu.enqueue_dma source(%dma_start3A_87 : memref<32x128xf32, #tpu.memory_space<hbm>>) target(%arg13 : memref<32x128xf32, #tpu.memory_space<vmem>>) target_semaphore(%arg23 : memref<!tpu.dma_semaphore, #tpu.memory_space<semaphore_mem>>)
    %scan3A = arith.constant 0 : i32
    %scan3A_88 = arith.constant 0 : i32
    %scan3A_89 = arith.constant 32 : i32
    %scan3A_90 = arith.addi %scan3A_88, %scan3A_89 : i32
    %scan3A_91 = arith.constant 1 : i32
    scf.for %scan3A_140 = %scan3A_88 to %scan3A_90 step %scan3A_91  : i32 {
      %mul3A_141 = arith.constant 2 : i32
      %mul3A_142 = arith.muli %mul3A_141, %scan3A_140 : i32
      %add3A_143 = arith.constant 1 : i32
      %add3A_144 = arith.addi %mul3A_142, %add3A_143 : i32
      %mul3A_145 = arith.constant 8 : i32
      %mul3A_146 = arith.muli %add3A_144, %mul3A_145 : i32
      %get3A_147 = arith.index_cast %mul3A_146 : i32 to index
      %get3A_148 = tpu.vector_load %arg5[%get3A_147] {strides = array<i32>} : memref<528xi32, #tpu.memory_space<vmem>>, vector<16xi32>,
      %slice3A_149 = vector.extract_strided_slice %get3A_148 {offsets = [0], sizes = [1], strides = [1]} : vector<16xi32> to vector<1xi32>
      %squeeze3A_150 = vector.extract %slice3A_149[0] : i32 from vector<1xi32>
      %shift_right_logical3A_151 = arith.constant 7 : i32
      %shift_right_logical3A_152 = arith.shrui %squeeze3A_150, %shift_right_logical3A_151 : i32
      %shift_left3A_153 = arith.constant 7 : i32
      %shift_left3A_154 = arith.shli %shift_right_logical3A_152, %shift_left3A_153 : i32
      %multiple_of3A_155 = tpu.assume_multiple %shift_left3A_154, 128 : i32
      %dma_start3A_156 = arith.constant 0 : i32
      %dma_start3A_157 = tpu.memref_slice %arg3[%dma_start3A_156, %multiple_of3A_155] : memref<32x1000001xf32, #tpu.memory_space<hbm>> -> memref<32x128xf32, #tpu.memory_space<hbm>>
      %dma_start3A_158 = arith.constant 0 : i32
      %dma_start3A_159 = tpu.memref_slice %arg3[%dma_start3A_158, %multiple_of3A_155] : memref<32x1000001xf32, #tpu.memory_space<hbm>> -> memref<32x128xf32, #tpu.memory_space<hbm>>
      tpu.enqueue_dma source(%dma_start3A_159 : memref<32x128xf32, #tpu.memory_space<hbm>>) target(%arg14 : memref<32x128xf32, #tpu.memory_space<vmem>>) target_semaphore(%arg24 : memref<!tpu.dma_semaphore, #tpu.memory_space<semaphore_mem>>)
      %slice3A_160 = vector.extract_strided_slice %get3A_148 {offsets = [1], sizes = [1], strides = [1]} : vector<16xi32> to vector<1xi32>
      %squeeze3A_161 = vector.extract %slice3A_160[0] : i32 from vector<1xi32>
      %shift_right_logical3A_162 = arith.constant 7 : i32
      %shift_right_logical3A_163 = arith.shrui %squeeze3A_161, %shift_right_logical3A_162 : i32
      %shift_left3A_164 = arith.constant 7 : i32
      %shift_left3A_165 = arith.shli %shift_right_logical3A_163, %shift_left3A_164 : i32
      %multiple_of3A_166 = tpu.assume_multiple %shift_left3A_165, 128 : i32
      %dma_start3A_167 = arith.constant 0 : i32
      %dma_start3A_168 = tpu.memref_slice %arg3[%dma_start3A_167, %multiple_of3A_166] : memref<32x1000001xf32, #tpu.memory_space<hbm>> -> memref<32x128xf32, #tpu.memory_space<hbm>>
      %dma_start3A_169 = arith.constant 0 : i32
      %dma_start3A_170 = tpu.memref_slice %arg3[%dma_start3A_169, %multiple_of3A_166] : memref<32x1000001xf32, #tpu.memory_space<hbm>> -> memref<32x128xf32, #tpu.memory_space<hbm>>
      tpu.enqueue_dma source(%dma_start3A_170 : memref<32x128xf32, #tpu.memory_space<hbm>>) target(%arg15 : memref<32x128xf32, #tpu.memory_space<vmem>>) target_semaphore(%arg24 : memref<!tpu.dma_semaphore, #tpu.memory_space<semaphore_mem>>)
      %slice3A_171 = vector.extract_strided_slice %get3A_148 {offsets = [2], sizes = [1], strides = [1]} : vector<16xi32> to vector<1xi32>
      %squeeze3A_172 = vector.extract %slice3A_171[0] : i32 from vector<1xi32>
      %shift_right_logical3A_173 = arith.constant 7 : i32
      %shift_right_logical3A_174 = arith.shrui %squeeze3A_172, %shift_right_logical3A_173 : i32
      %shift_left3A_175 = arith.constant 7 : i32
      %shift_left3A_176 = arith.shli %shift_right_logical3A_174, %shift_left3A_175 : i32
      %multiple_of3A_177 = tpu.assume_multiple %shift_left3A_176, 128 : i32
      %dma_start3A_178 = arith.constant 0 : i32
      %dma_start3A_179 = tpu.memref_slice %arg3[%dma_start3A_178, %multiple_of3A_177] : memref<32x1000001xf32, #tpu.memory_space<hbm>> -> memref<32x128xf32, #tpu.memory_space<hbm>>
      %dma_start3A_180 = arith.constant 0 : i32
      %dma_start3A_181 = tpu.memref_slice %arg3[%dma_start3A_180, %multiple_of3A_177] : memref<32x1000001xf32, #tpu.memory_space<hbm>> -> memref<32x128xf32, #tpu.memory_space<hbm>>
      tpu.enqueue_dma source(%dma_start3A_181 : memref<32x128xf32, #tpu.memory_space<hbm>>) target(%arg16 : memref<32x128xf32, #tpu.memory_space<vmem>>) target_semaphore(%arg24 : memref<!tpu.dma_semaphore, #tpu.memory_space<semaphore_mem>>)
      %slice3A_182 = vector.extract_strided_slice %get3A_148 {offsets = [3], sizes = [1], strides = [1]} : vector<16xi32> to vector<1xi32>
      %squeeze3A_183 = vector.extract %slice3A_182[0] : i32 from vector<1xi32>
      %shift_right_logical3A_184 = arith.constant 7 : i32
      %shift_right_logical3A_185 = arith.shrui %squeeze3A_183, %shift_right_logical3A_184 : i32
      %shift_left3A_186 = arith.constant 7 : i32
      %shift_left3A_187 = arith.shli %shift_right_logical3A_185, %shift_left3A_186 : i32
      %multiple_of3A_188 = tpu.assume_multiple %shift_left3A_187, 128 : i32
      %dma_start3A_189 = arith.constant 0 : i32
      %dma_start3A_190 = tpu.memref_slice %arg3[%dma_start3A_189, %multiple_of3A_188] : memref<32x1000001xf32, #tpu.memory_space<hbm>> -> memref<32x128xf32, #tpu.memory_space<hbm>>
      %dma_start3A_191 = arith.constant 0 : i32
      %dma_start3A_192 = tpu.memref_slice %arg3[%dma_start3A_191, %multiple_of3A_188] : memref<32x1000001xf32, #tpu.memory_space<hbm>> -> memref<32x128xf32, #tpu.memory_space<hbm>>
      tpu.enqueue_dma source(%dma_start3A_192 : memref<32x128xf32, #tpu.memory_space<hbm>>) target(%arg17 : memref<32x128xf32, #tpu.memory_space<vmem>>) target_semaphore(%arg24 : memref<!tpu.dma_semaphore, #tpu.memory_space<semaphore_mem>>)
      %slice3A_193 = vector.extract_strided_slice %get3A_148 {offsets = [4], sizes = [1], strides = [1]} : vector<16xi32> to vector<1xi32>
      %squeeze3A_194 = vector.extract %slice3A_193[0] : i32 from vector<1xi32>
      %shift_right_logical3A_195 = arith.constant 7 : i32
      %shift_right_logical3A_196 = arith.shrui %squeeze3A_194, %shift_right_logical3A_195 : i32
      %shift_left3A_197 = arith.constant 7 : i32
      %shift_left3A_198 = arith.shli %shift_right_logical3A_196, %shift_left3A_197 : i32
      %multiple_of3A_199 = tpu.assume_multiple %shift_left3A_198, 128 : i32
      %dma_start3A_200 = arith.constant 0 : i32
      %dma_start3A_201 = tpu.memref_slice %arg3[%dma_start3A_200, %multiple_of3A_199] : memref<32x1000001xf32, #tpu.memory_space<hbm>> -> memref<32x128xf32, #tpu.memory_space<hbm>>
      %dma_start3A_202 = arith.constant 0 : i32
      %dma_start3A_203 = tpu.memref_slice %arg3[%dma_start3A_202, %multiple_of3A_199] : memref<32x1000001xf32, #tpu.memory_space<hbm>> -> memref<32x128xf32, #tpu.memory_space<hbm>>
      tpu.enqueue_dma source(%dma_start3A_203 : memref<32x128xf32, #tpu.memory_space<hbm>>) target(%arg18 : memref<32x128xf32, #tpu.memory_space<vmem>>) target_semaphore(%arg24 : memref<!tpu.dma_semaphore, #tpu.memory_space<semaphore_mem>>)
      %slice3A_204 = vector.extract_strided_slice %get3A_148 {offsets = [5], sizes = [1], strides = [1]} : vector<16xi32> to vector<1xi32>
      %squeeze3A_205 = vector.extract %slice3A_204[0] : i32 from vector<1xi32>
      %shift_right_logical3A_206 = arith.constant 7 : i32
      %shift_right_logical3A_207 = arith.shrui %squeeze3A_205, %shift_right_logical3A_206 : i32
      %shift_left3A_208 = arith.constant 7 : i32
      %shift_left3A_209 = arith.shli %shift_right_logical3A_207, %shift_left3A_208 : i32
      %multiple_of3A_210 = tpu.assume_multiple %shift_left3A_209, 128 : i32
      %dma_start3A_211 = arith.constant 0 : i32
      %dma_start3A_212 = tpu.memref_slice %arg3[%dma_start3A_211, %multiple_of3A_210] : memref<32x1000001xf32, #tpu.memory_space<hbm>> -> memref<32x128xf32, #tpu.memory_space<hbm>>
      %dma_start3A_213 = arith.constant 0 : i32
      %dma_start3A_214 = tpu.memref_slice %arg3[%dma_start3A_213, %multiple_of3A_210] : memref<32x1000001xf32, #tpu.memory_space<hbm>> -> memref<32x128xf32, #tpu.memory_space<hbm>>
      tpu.enqueue_dma source(%dma_start3A_214 : memref<32x128xf32, #tpu.memory_space<hbm>>) target(%arg19 : memref<32x128xf32, #tpu.memory_space<vmem>>) target_semaphore(%arg24 : memref<!tpu.dma_semaphore, #tpu.memory_space<semaphore_mem>>)
      %slice3A_215 = vector.extract_strided_slice %get3A_148 {offsets = [6], sizes = [1], strides = [1]} : vector<16xi32> to vector<1xi32>
      %squeeze3A_216 = vector.extract %slice3A_215[0] : i32 from vector<1xi32>
      %shift_right_logical3A_217 = arith.constant 7 : i32
      %shift_right_logical3A_218 = arith.shrui %squeeze3A_216, %shift_right_logical3A_217 : i32
      %shift_left3A_219 = arith.constant 7 : i32
      %shift_left3A_220 = arith.shli %shift_right_logical3A_218, %shift_left3A_219 : i32
      %multiple_of3A_221 = tpu.assume_multiple %shift_left3A_220, 128 : i32
      %dma_start3A_222 = arith.constant 0 : i32
      %dma_start3A_223 = tpu.memref_slice %arg3[%dma_start3A_222, %multiple_of3A_221] : memref<32x1000001xf32, #tpu.memory_space<hbm>> -> memref<32x128xf32, #tpu.memory_space<hbm>>
      %dma_start3A_224 = arith.constant 0 : i32
      %dma_start3A_225 = tpu.memref_slice %arg3[%dma_start3A_224, %multiple_of3A_221] : memref<32x1000001xf32, #tpu.memory_space<hbm>> -> memref<32x128xf32, #tpu.memory_space<hbm>>
      tpu.enqueue_dma source(%dma_start3A_225 : memref<32x128xf32, #tpu.memory_space<hbm>>) target(%arg20 : memref<32x128xf32, #tpu.memory_space<vmem>>) target_semaphore(%arg24 : memref<!tpu.dma_semaphore, #tpu.memory_space<semaphore_mem>>)
      %slice3A_226 = vector.extract_strided_slice %get3A_148 {offsets = [7], sizes = [1], strides = [1]} : vector<16xi32> to vector<1xi32>
      %squeeze3A_227 = vector.extract %slice3A_226[0] : i32 from vector<1xi32>
      %shift_right_logical3A_228 = arith.constant 7 : i32
      %shift_right_logical3A_229 = arith.shrui %squeeze3A_227, %shift_right_logical3A_228 : i32
      %shift_left3A_230 = arith.constant 7 : i32
      %shift_left3A_231 = arith.shli %shift_right_logical3A_229, %shift_left3A_230 : i32
      %multiple_of3A_232 = tpu.assume_multiple %shift_left3A_231, 128 : i32
      %dma_start3A_233 = arith.constant 0 : i32
      %dma_start3A_234 = tpu.memref_slice %arg3[%dma_start3A_233, %multiple_of3A_232] : memref<32x1000001xf32, #tpu.memory_space<hbm>> -> memref<32x128xf32, #tpu.memory_space<hbm>>
      %dma_start3A_235 = arith.constant 0 : i32
      %dma_start3A_236 = tpu.memref_slice %arg3[%dma_start3A_235, %multiple_of3A_232] : memref<32x1000001xf32, #tpu.memory_space<hbm>> -> memref<32x128xf32, #tpu.memory_space<hbm>>
      tpu.enqueue_dma source(%dma_start3A_236 : memref<32x128xf32, #tpu.memory_space<hbm>>) target(%arg21 : memref<32x128xf32, #tpu.memory_space<vmem>>) target_semaphore(%arg24 : memref<!tpu.dma_semaphore, #tpu.memory_space<semaphore_mem>>)
      %dma_wait3A_237 = arith.constant 0 : i32
      %dma_wait3A_238 = arith.constant 0 : i32
      %dma_wait3A_239 = tpu.memref_slice %arg3[%dma_wait3A_237, %dma_wait3A_238] : memref<32x1000001xf32, #tpu.memory_space<hbm>> -> memref<32x128xf32, #tpu.memory_space<hbm>>
      %dma_wait3A_240 = arith.constant 0 : i32
      %dma_wait3A_241 = arith.constant 0 : i32
      %dma_wait3A_242 = tpu.memref_slice %arg3[%dma_wait3A_240, %dma_wait3A_241] : memref<32x1000001xf32, #tpu.memory_space<hbm>> -> memref<32x128xf32, #tpu.memory_space<hbm>>
      tpu.wait_dma2 semaphore(%arg23 : memref<!tpu.dma_semaphore, #tpu.memory_space<semaphore_mem>>) src(%dma_wait3A_242 : memref<32x128xf32, #tpu.memory_space<hbm>>) dst(%arg6 : memref<32x128xf32, #tpu.memory_space<vmem>>)
      %dma_wait3A_243 = arith.constant 0 : i32
      %dma_wait3A_244 = arith.constant 0 : i32
      %dma_wait3A_245 = tpu.memref_slice %arg3[%dma_wait3A_243, %dma_wait3A_244] : memref<32x1000001xf32, #tpu.memory_space<hbm>> -> memref<32x128xf32, #tpu.memory_space<hbm>>
      %dma_wait3A_246 = arith.constant 0 : i32
      %dma_wait3A_247 = arith.constant 0 : i32
      %dma_wait3A_248 = tpu.memref_slice %arg3[%dma_wait3A_246, %dma_wait3A_247] : memref<32x1000001xf32, #tpu.memory_space<hbm>> -> memref<32x128xf32, #tpu.memory_space<hbm>>
      tpu.wait_dma2 semaphore(%arg23 : memref<!tpu.dma_semaphore, #tpu.memory_space<semaphore_mem>>) src(%dma_wait3A_248 : memref<32x128xf32, #tpu.memory_space<hbm>>) dst(%arg7 : memref<32x128xf32, #tpu.memory_space<vmem>>)
      %dma_wait3A_249 = arith.constant 0 : i32
      %dma_wait3A_250 = arith.constant 0 : i32
      %dma_wait3A_251 = tpu.memref_slice %arg3[%dma_wait3A_249, %dma_wait3A_250] : memref<32x1000001xf32, #tpu.memory_space<hbm>> -> memref<32x128xf32, #tpu.memory_space<hbm>>
      %dma_wait3A_252 = arith.constant 0 : i32
      %dma_wait3A_253 = arith.constant 0 : i32
      %dma_wait3A_254 = tpu.memref_slice %arg3[%dma_wait3A_252, %dma_wait3A_253] : memref<32x1000001xf32, #tpu.memory_space<hbm>> -> memref<32x128xf32, #tpu.memory_space<hbm>>
      tpu.wait_dma2 semaphore(%arg23 : memref<!tpu.dma_semaphore, #tpu.memory_space<semaphore_mem>>) src(%dma_wait3A_254 : memref<32x128xf32, #tpu.memory_space<hbm>>) dst(%arg8 : memref<32x128xf32, #tpu.memory_space<vmem>>)
      %dma_wait3A_255 = arith.constant 0 : i32
      %dma_wait3A_256 = arith.constant 0 : i32
      %dma_wait3A_257 = tpu.memref_slice %arg3[%dma_wait3A_255, %dma_wait3A_256] : memref<32x1000001xf32, #tpu.memory_space<hbm>> -> memref<32x128xf32, #tpu.memory_space<hbm>>
      %dma_wait3A_258 = arith.constant 0 : i32
      %dma_wait3A_259 = arith.constant 0 : i32
      %dma_wait3A_260 = tpu.memref_slice %arg3[%dma_wait3A_258, %dma_wait3A_259] : memref<32x1000001xf32, #tpu.memory_space<hbm>> -> memref<32x128xf32, #tpu.memory_space<hbm>>
      tpu.wait_dma2 semaphore(%arg23 : memref<!tpu.dma_semaphore, #tpu.memory_space<semaphore_mem>>) src(%dma_wait3A_260 : memref<32x128xf32, #tpu.memory_space<hbm>>) dst(%arg9 : memref<32x128xf32, #tpu.memory_space<vmem>>)
      %dma_wait3A_261 = arith.constant 0 : i32
      %dma_wait3A_262 = arith.constant 0 : i32
      %dma_wait3A_263 = tpu.memref_slice %arg3[%dma_wait3A_261, %dma_wait3A_262] : memref<32x1000001xf32, #tpu.memory_space<hbm>> -> memref<32x128xf32, #tpu.memory_space<hbm>>
      %dma_wait3A_264 = arith.constant 0 : i32
      %dma_wait3A_265 = arith.constant 0 : i32
      %dma_wait3A_266 = tpu.memref_slice %arg3[%dma_wait3A_264, %dma_wait3A_265] : memref<32x1000001xf32, #tpu.memory_space<hbm>> -> memref<32x128xf32, #tpu.memory_space<hbm>>
      tpu.wait_dma2 semaphore(%arg23 : memref<!tpu.dma_semaphore, #tpu.memory_space<semaphore_mem>>) src(%dma_wait3A_266 : memref<32x128xf32, #tpu.memory_space<hbm>>) dst(%arg10 : memref<32x128xf32, #tpu.memory_space<vmem>>)
      %dma_wait3A_267 = arith.constant 0 : i32
      %dma_wait3A_268 = arith.constant 0 : i32
      %dma_wait3A_269 = tpu.memref_slice %arg3[%dma_wait3A_267, %dma_wait3A_268] : memref<32x1000001xf32, #tpu.memory_space<hbm>> -> memref<32x128xf32, #tpu.memory_space<hbm>>
      %dma_wait3A_270 = arith.constant 0 : i32
      %dma_wait3A_271 = arith.constant 0 : i32
      %dma_wait3A_272 = tpu.memref_slice %arg3[%dma_wait3A_270, %dma_wait3A_271] : memref<32x1000001xf32, #tpu.memory_space<hbm>> -> memref<32x128xf32, #tpu.memory_space<hbm>>
      tpu.wait_dma2 semaphore(%arg23 : memref<!tpu.dma_semaphore, #tpu.memory_space<semaphore_mem>>) src(%dma_wait3A_272 : memref<32x128xf32, #tpu.memory_space<hbm>>) dst(%arg11 : memref<32x128xf32, #tpu.memory_space<vmem>>)
      %dma_wait3A_273 = arith.constant 0 : i32
      %dma_wait3A_274 = arith.constant 0 : i32
      %dma_wait3A_275 = tpu.memref_slice %arg3[%dma_wait3A_273, %dma_wait3A_274] : memref<32x1000001xf32, #tpu.memory_space<hbm>> -> memref<32x128xf32, #tpu.memory_space<hbm>>
      %dma_wait3A_276 = arith.constant 0 : i32
      %dma_wait3A_277 = arith.constant 0 : i32
      %dma_wait3A_278 = tpu.memref_slice %arg3[%dma_wait3A_276, %dma_wait3A_277] : memref<32x1000001xf32, #tpu.memory_space<hbm>> -> memref<32x128xf32, #tpu.memory_space<hbm>>
      tpu.wait_dma2 semaphore(%arg23 : memref<!tpu.dma_semaphore, #tpu.memory_space<semaphore_mem>>) src(%dma_wait3A_278 : memref<32x128xf32, #tpu.memory_space<hbm>>) dst(%arg12 : memref<32x128xf32, #tpu.memory_space<vmem>>)
      %dma_wait3A_279 = arith.constant 0 : i32
      %dma_wait3A_280 = arith.constant 0 : i32
      %dma_wait3A_281 = tpu.memref_slice %arg3[%dma_wait3A_279, %dma_wait3A_280] : memref<32x1000001xf32, #tpu.memory_space<hbm>> -> memref<32x128xf32, #tpu.memory_space<hbm>>
      %dma_wait3A_282 = arith.constant 0 : i32
      %dma_wait3A_283 = arith.constant 0 : i32
      %dma_wait3A_284 = tpu.memref_slice %arg3[%dma_wait3A_282, %dma_wait3A_283] : memref<32x1000001xf32, #tpu.memory_space<hbm>> -> memref<32x128xf32, #tpu.memory_space<hbm>>
      tpu.wait_dma2 semaphore(%arg23 : memref<!tpu.dma_semaphore, #tpu.memory_space<semaphore_mem>>) src(%dma_wait3A_284 : memref<32x128xf32, #tpu.memory_space<hbm>>) dst(%arg13 : memref<32x128xf32, #tpu.memory_space<vmem>>)
      %mul3A_285 = arith.constant 8 : i32
      %mul3A_286 = arith.muli %mul3A_142, %mul3A_285 : i32
      %add3A_287 = arith.constant 0 : i32
      %add3A_288 = arith.addi %mul3A_286, %add3A_287 : i32
      %broadcast_in_dim3A_289 = vector.broadcast %add3A_288 : i32 to vector<16xi32>
      %gather3A = tpu.vector_load_idx %arg5[%broadcast_in_dim3A_289] : memref<528xi32, #tpu.memory_space<vmem>>[vector<16xi32>], vector<16xi32>,
      %and3A = arith.constant 127 : i32
      %and3A_290 = vector.broadcast %and3A : i32 to vector<16xi32>
      %and3A_291 = arith.andi %gather3A, %and3A_290 : vector<16xi32>
      %add3A_292 = arith.constant 0 : i32
      %add3A_293 = arith.addi %mul3A_286, %add3A_292 : i32
      %broadcast_in_dim3A_294 = vector.broadcast %add3A_293 : i32 to vector<16xi32>
      %gather3A_295 = tpu.vector_load_idx %arg6[%iota3A, %and3A_291] : memref<32x128xf32, #tpu.memory_space<vmem>>[vector<16xi32>, vector<16xi32>], vector<16xf32>,
      %add3A_296 = arith.constant 16 : i32
      %add3A_297 = vector.broadcast %add3A_296 : i32 to vector<16xi32>
      %add3A_298 = arith.addi %iota3A, %add3A_297 : vector<16xi32>
      %gather3A_299 = tpu.vector_load_idx %arg6[%add3A_298, %and3A_291] : memref<32x128xf32, #tpu.memory_space<vmem>>[vector<16xi32>, vector<16xi32>], vector<16xf32>,
      tpu.vector_store_idx %arg22[%iota3A, %broadcast_in_dim3A_294], %gather3A_295 : memref<32x512xf32, #tpu.memory_space<vmem>>[vector<16xi32>, vector<16xi32>], vector<16xf32>,
      %add3A_300 = arith.constant 16 : i32
      %add3A_301 = vector.broadcast %add3A_300 : i32 to vector<16xi32>
      %add3A_302 = arith.addi %iota3A, %add3A_301 : vector<16xi32>
      tpu.vector_store_idx %arg22[%add3A_302, %broadcast_in_dim3A_294], %gather3A_299 : memref<32x512xf32, #tpu.memory_space<vmem>>[vector<16xi32>, vector<16xi32>], vector<16xf32>,
      %add3A_303 = arith.constant 1 : i32
      %add3A_304 = arith.addi %mul3A_286, %add3A_303 : i32
      %broadcast_in_dim3A_305 = vector.broadcast %add3A_304 : i32 to vector<16xi32>
      %gather3A_306 = tpu.vector_load_idx %arg5[%broadcast_in_dim3A_305] : memref<528xi32, #tpu.memory_space<vmem>>[vector<16xi32>], vector<16xi32>,
      %and3A_307 = arith.constant 127 : i32
      %and3A_308 = vector.broadcast %and3A_307 : i32 to vector<16xi32>
      %and3A_309 = arith.andi %gather3A_306, %and3A_308 : vector<16xi32>
      %add3A_310 = arith.constant 1 : i32
      %add3A_311 = arith.addi %mul3A_286, %add3A_310 : i32
      %broadcast_in_dim3A_312 = vector.broadcast %add3A_311 : i32 to vector<16xi32>
      %gather3A_313 = tpu.vector_load_idx %arg7[%iota3A, %and3A_309] : memref<32x128xf32, #tpu.memory_space<vmem>>[vector<16xi32>, vector<16xi32>], vector<16xf32>,
      %add3A_314 = arith.constant 16 : i32
      %add3A_315 = vector.broadcast %add3A_314 : i32 to vector<16xi32>
      %add3A_316 = arith.addi %iota3A, %add3A_315 : vector<16xi32>
      %gather3A_317 = tpu.vector_load_idx %arg7[%add3A_316, %and3A_309] : memref<32x128xf32, #tpu.memory_space<vmem>>[vector<16xi32>, vector<16xi32>], vector<16xf32>,
      tpu.vector_store_idx %arg22[%iota3A, %broadcast_in_dim3A_312], %gather3A_313 : memref<32x512xf32, #tpu.memory_space<vmem>>[vector<16xi32>, vector<16xi32>], vector<16xf32>,
      %add3A_318 = arith.constant 16 : i32
      %add3A_319 = vector.broadcast %add3A_318 : i32 to vector<16xi32>
      %add3A_320 = arith.addi %iota3A, %add3A_319 : vector<16xi32>
      tpu.vector_store_idx %arg22[%add3A_320, %broadcast_in_dim3A_312], %gather3A_317 : memref<32x512xf32, #tpu.memory_space<vmem>>[vector<16xi32>, vector<16xi32>], vector<16xf32>,
      %add3A_321 = arith.constant 2 : i32
      %add3A_322 = arith.addi %mul3A_286, %add3A_321 : i32
      %broadcast_in_dim3A_323 = vector.broadcast %add3A_322 : i32 to vector<16xi32>
      %gather3A_324 = tpu.vector_load_idx %arg5[%broadcast_in_dim3A_323] : memref<528xi32, #tpu.memory_space<vmem>>[vector<16xi32>], vector<16xi32>,
      %and3A_325 = arith.constant 127 : i32
      %and3A_326 = vector.broadcast %and3A_325 : i32 to vector<16xi32>
      %and3A_327 = arith.andi %gather3A_324, %and3A_326 : vector<16xi32>
      %add3A_328 = arith.constant 2 : i32
      %add3A_329 = arith.addi %mul3A_286, %add3A_328 : i32
      %broadcast_in_dim3A_330 = vector.broadcast %add3A_329 : i32 to vector<16xi32>
      %gather3A_331 = tpu.vector_load_idx %arg8[%iota3A, %and3A_327] : memref<32x128xf32, #tpu.memory_space<vmem>>[vector<16xi32>, vector<16xi32>], vector<16xf32>,
      %add3A_332 = arith.constant 16 : i32
      %add3A_333 = vector.broadcast %add3A_332 : i32 to vector<16xi32>
      %add3A_334 = arith.addi %iota3A, %add3A_333 : vector<16xi32>
      %gather3A_335 = tpu.vector_load_idx %arg8[%add3A_334, %and3A_327] : memref<32x128xf32, #tpu.memory_space<vmem>>[vector<16xi32>, vector<16xi32>], vector<16xf32>,
      tpu.vector_store_idx %arg22[%iota3A, %broadcast_in_dim3A_330], %gather3A_331 : memref<32x512xf32, #tpu.memory_space<vmem>>[vector<16xi32>, vector<16xi32>], vector<16xf32>,
      %add3A_336 = arith.constant 16 : i32
      %add3A_337 = vector.broadcast %add3A_336 : i32 to vector<16xi32>
      %add3A_338 = arith.addi %iota3A, %add3A_337 : vector<16xi32>
      tpu.vector_store_idx %arg22[%add3A_338, %broadcast_in_dim3A_330], %gather3A_335 : memref<32x512xf32, #tpu.memory_space<vmem>>[vector<16xi32>, vector<16xi32>], vector<16xf32>,
      %add3A_339 = arith.constant 3 : i32
      %add3A_340 = arith.addi %mul3A_286, %add3A_339 : i32
      %broadcast_in_dim3A_341 = vector.broadcast %add3A_340 : i32 to vector<16xi32>
      %gather3A_342 = tpu.vector_load_idx %arg5[%broadcast_in_dim3A_341] : memref<528xi32, #tpu.memory_space<vmem>>[vector<16xi32>], vector<16xi32>,
      %and3A_343 = arith.constant 127 : i32
      %and3A_344 = vector.broadcast %and3A_343 : i32 to vector<16xi32>
      %and3A_345 = arith.andi %gather3A_342, %and3A_344 : vector<16xi32>
      %add3A_346 = arith.constant 3 : i32
      %add3A_347 = arith.addi %mul3A_286, %add3A_346 : i32
      %broadcast_in_dim3A_348 = vector.broadcast %add3A_347 : i32 to vector<16xi32>
      %gather3A_349 = tpu.vector_load_idx %arg9[%iota3A, %and3A_345] : memref<32x128xf32, #tpu.memory_space<vmem>>[vector<16xi32>, vector<16xi32>], vector<16xf32>,
      %add3A_350 = arith.constant 16 : i32
      %add3A_351 = vector.broadcast %add3A_350 : i32 to vector<16xi32>
      %add3A_352 = arith.addi %iota3A, %add3A_351 : vector<16xi32>
      %gather3A_353 = tpu.vector_load_idx %arg9[%add3A_352, %and3A_345] : memref<32x128xf32, #tpu.memory_space<vmem>>[vector<16xi32>, vector<16xi32>], vector<16xf32>,
      tpu.vector_store_idx %arg22[%iota3A, %broadcast_in_dim3A_348], %gather3A_349 : memref<32x512xf32, #tpu.memory_space<vmem>>[vector<16xi32>, vector<16xi32>], vector<16xf32>,
      %add3A_354 = arith.constant 16 : i32
      %add3A_355 = vector.broadcast %add3A_354 : i32 to vector<16xi32>
      %add3A_356 = arith.addi %iota3A, %add3A_355 : vector<16xi32>
      tpu.vector_store_idx %arg22[%add3A_356, %broadcast_in_dim3A_348], %gather3A_353 : memref<32x512xf32, #tpu.memory_space<vmem>>[vector<16xi32>, vector<16xi32>], vector<16xf32>,
      %add3A_357 = arith.constant 4 : i32
      %add3A_358 = arith.addi %mul3A_286, %add3A_357 : i32
      %broadcast_in_dim3A_359 = vector.broadcast %add3A_358 : i32 to vector<16xi32>
      %gather3A_360 = tpu.vector_load_idx %arg5[%broadcast_in_dim3A_359] : memref<528xi32, #tpu.memory_space<vmem>>[vector<16xi32>], vector<16xi32>,
      %and3A_361 = arith.constant 127 : i32
      %and3A_362 = vector.broadcast %and3A_361 : i32 to vector<16xi32>
      %and3A_363 = arith.andi %gather3A_360, %and3A_362 : vector<16xi32>
      %add3A_364 = arith.constant 4 : i32
      %add3A_365 = arith.addi %mul3A_286, %add3A_364 : i32
      %broadcast_in_dim3A_366 = vector.broadcast %add3A_365 : i32 to vector<16xi32>
      %gather3A_367 = tpu.vector_load_idx %arg10[%iota3A, %and3A_363] : memref<32x128xf32, #tpu.memory_space<vmem>>[vector<16xi32>, vector<16xi32>], vector<16xf32>,
      %add3A_368 = arith.constant 16 : i32
      %add3A_369 = vector.broadcast %add3A_368 : i32 to vector<16xi32>
      %add3A_370 = arith.addi %iota3A, %add3A_369 : vector<16xi32>
      %gather3A_371 = tpu.vector_load_idx %arg10[%add3A_370, %and3A_363] : memref<32x128xf32, #tpu.memory_space<vmem>>[vector<16xi32>, vector<16xi32>], vector<16xf32>,
      tpu.vector_store_idx %arg22[%iota3A, %broadcast_in_dim3A_366], %gather3A_367 : memref<32x512xf32, #tpu.memory_space<vmem>>[vector<16xi32>, vector<16xi32>], vector<16xf32>,
      %add3A_372 = arith.constant 16 : i32
      %add3A_373 = vector.broadcast %add3A_372 : i32 to vector<16xi32>
      %add3A_374 = arith.addi %iota3A, %add3A_373 : vector<16xi32>
      tpu.vector_store_idx %arg22[%add3A_374, %broadcast_in_dim3A_366], %gather3A_371 : memref<32x512xf32, #tpu.memory_space<vmem>>[vector<16xi32>, vector<16xi32>], vector<16xf32>,
      %add3A_375 = arith.constant 5 : i32
      %add3A_376 = arith.addi %mul3A_286, %add3A_375 : i32
      %broadcast_in_dim3A_377 = vector.broadcast %add3A_376 : i32 to vector<16xi32>
      %gather3A_378 = tpu.vector_load_idx %arg5[%broadcast_in_dim3A_377] : memref<528xi32, #tpu.memory_space<vmem>>[vector<16xi32>], vector<16xi32>,
      %and3A_379 = arith.constant 127 : i32
      %and3A_380 = vector.broadcast %and3A_379 : i32 to vector<16xi32>
      %and3A_381 = arith.andi %gather3A_378, %and3A_380 : vector<16xi32>
      %add3A_382 = arith.constant 5 : i32
      %add3A_383 = arith.addi %mul3A_286, %add3A_382 : i32
      %broadcast_in_dim3A_384 = vector.broadcast %add3A_383 : i32 to vector<16xi32>
      %gather3A_385 = tpu.vector_load_idx %arg11[%iota3A, %and3A_381] : memref<32x128xf32, #tpu.memory_space<vmem>>[vector<16xi32>, vector<16xi32>], vector<16xf32>,
      %add3A_386 = arith.constant 16 : i32
      %add3A_387 = vector.broadcast %add3A_386 : i32 to vector<16xi32>
      %add3A_388 = arith.addi %iota3A, %add3A_387 : vector<16xi32>
      %gather3A_389 = tpu.vector_load_idx %arg11[%add3A_388, %and3A_381] : memref<32x128xf32, #tpu.memory_space<vmem>>[vector<16xi32>, vector<16xi32>], vector<16xf32>,
      tpu.vector_store_idx %arg22[%iota3A, %broadcast_in_dim3A_384], %gather3A_385 : memref<32x512xf32, #tpu.memory_space<vmem>>[vector<16xi32>, vector<16xi32>], vector<16xf32>,
      %add3A_390 = arith.constant 16 : i32
      %add3A_391 = vector.broadcast %add3A_390 : i32 to vector<16xi32>
      %add3A_392 = arith.addi %iota3A, %add3A_391 : vector<16xi32>
      tpu.vector_store_idx %arg22[%add3A_392, %broadcast_in_dim3A_384], %gather3A_389 : memref<32x512xf32, #tpu.memory_space<vmem>>[vector<16xi32>, vector<16xi32>], vector<16xf32>,
      %add3A_393 = arith.constant 6 : i32
      %add3A_394 = arith.addi %mul3A_286, %add3A_393 : i32
      %broadcast_in_dim3A_395 = vector.broadcast %add3A_394 : i32 to vector<16xi32>
      %gather3A_396 = tpu.vector_load_idx %arg5[%broadcast_in_dim3A_395] : memref<528xi32, #tpu.memory_space<vmem>>[vector<16xi32>], vector<16xi32>,
      %and3A_397 = arith.constant 127 : i32
      %and3A_398 = vector.broadcast %and3A_397 : i32 to vector<16xi32>
      %and3A_399 = arith.andi %gather3A_396, %and3A_398 : vector<16xi32>
      %add3A_400 = arith.constant 6 : i32
      %add3A_401 = arith.addi %mul3A_286, %add3A_400 : i32
      %broadcast_in_dim3A_402 = vector.broadcast %add3A_401 : i32 to vector<16xi32>
      %gather3A_403 = tpu.vector_load_idx %arg12[%iota3A, %and3A_399] : memref<32x128xf32, #tpu.memory_space<vmem>>[vector<16xi32>, vector<16xi32>], vector<16xf32>,
      %add3A_404 = arith.constant 16 : i32
      %add3A_405 = vector.broadcast %add3A_404 : i32 to vector<16xi32>
      %add3A_406 = arith.addi %iota3A, %add3A_405 : vector<16xi32>
      %gather3A_407 = tpu.vector_load_idx %arg12[%add3A_406, %and3A_399] : memref<32x128xf32, #tpu.memory_space<vmem>>[vector<16xi32>, vector<16xi32>], vector<16xf32>,
      tpu.vector_store_idx %arg22[%iota3A, %broadcast_in_dim3A_402], %gather3A_403 : memref<32x512xf32, #tpu.memory_space<vmem>>[vector<16xi32>, vector<16xi32>], vector<16xf32>,
      %add3A_408 = arith.constant 16 : i32
      %add3A_409 = vector.broadcast %add3A_408 : i32 to vector<16xi32>
      %add3A_410 = arith.addi %iota3A, %add3A_409 : vector<16xi32>
      tpu.vector_store_idx %arg22[%add3A_410, %broadcast_in_dim3A_402], %gather3A_407 : memref<32x512xf32, #tpu.memory_space<vmem>>[vector<16xi32>, vector<16xi32>], vector<16xf32>,
      %add3A_411 = arith.constant 7 : i32
      %add3A_412 = arith.addi %mul3A_286, %add3A_411 : i32
      %broadcast_in_dim3A_413 = vector.broadcast %add3A_412 : i32 to vector<16xi32>
      %gather3A_414 = tpu.vector_load_idx %arg5[%broadcast_in_dim3A_413] : memref<528xi32, #tpu.memory_space<vmem>>[vector<16xi32>], vector<16xi32>,
      %and3A_415 = arith.constant 127 : i32
      %and3A_416 = vector.broadcast %and3A_415 : i32 to vector<16xi32>
      %and3A_417 = arith.andi %gather3A_414, %and3A_416 : vector<16xi32>
      %add3A_418 = arith.constant 7 : i32
      %add3A_419 = arith.addi %mul3A_286, %add3A_418 : i32
      %broadcast_in_dim3A_420 = vector.broadcast %add3A_419 : i32 to vector<16xi32>
      %gather3A_421 = tpu.vector_load_idx %arg13[%iota3A, %and3A_417] : memref<32x128xf32, #tpu.memory_space<vmem>>[vector<16xi32>, vector<16xi32>], vector<16xf32>,
      %add3A_422 = arith.constant 16 : i32
      %add3A_423 = vector.broadcast %add3A_422 : i32 to vector<16xi32>
      %add3A_424 = arith.addi %iota3A, %add3A_423 : vector<16xi32>
      %gather3A_425 = tpu.vector_load_idx %arg13[%add3A_424, %and3A_417] : memref<32x128xf32, #tpu.memory_space<vmem>>[vector<16xi32>, vector<16xi32>], vector<16xf32>,
      tpu.vector_store_idx %arg22[%iota3A, %broadcast_in_dim3A_420], %gather3A_421 : memref<32x512xf32, #tpu.memory_space<vmem>>[vector<16xi32>, vector<16xi32>], vector<16xf32>,
      %add3A_426 = arith.constant 16 : i32
      %add3A_427 = vector.broadcast %add3A_426 : i32 to vector<16xi32>
      %add3A_428 = arith.addi %iota3A, %add3A_427 : vector<16xi32>
      tpu.vector_store_idx %arg22[%add3A_428, %broadcast_in_dim3A_420], %gather3A_425 : memref<32x512xf32, #tpu.memory_space<vmem>>[vector<16xi32>, vector<16xi32>], vector<16xf32>,
      %add3A_429 = arith.constant 2 : i32
      %add3A_430 = arith.addi %mul3A_142, %add3A_429 : i32
      %rem3A = arith.constant 64 : i32
      %rem3A_431 = arith.remsi %add3A_430, %rem3A : i32
      %mul3A_432 = arith.constant 8 : i32
      %mul3A_433 = arith.muli %rem3A_431, %mul3A_432 : i32
      %get3A_434 = arith.index_cast %mul3A_433 : i32 to index
      %get3A_435 = tpu.vector_load %arg5[%get3A_434] {strides = array<i32>} : memref<528xi32, #tpu.memory_space<vmem>>, vector<16xi32>,
      %slice3A_436 = vector.extract_strided_slice %get3A_435 {offsets = [0], sizes = [1], strides = [1]} : vector<16xi32> to vector<1xi32>
      %squeeze3A_437 = vector.extract %slice3A_436[0] : i32 from vector<1xi32>
      %shift_right_logical3A_438 = arith.constant 7 : i32
      %shift_right_logical3A_439 = arith.shrui %squeeze3A_437, %shift_right_logical3A_438 : i32
      %shift_left3A_440 = arith.constant 7 : i32
      %shift_left3A_441 = arith.shli %shift_right_logical3A_439, %shift_left3A_440 : i32
      %multiple_of3A_442 = tpu.assume_multiple %shift_left3A_441, 128 : i32
      %dma_start3A_443 = arith.constant 0 : i32
      %dma_start3A_444 = tpu.memref_slice %arg3[%dma_start3A_443, %multiple_of3A_442] : memref<32x1000001xf32, #tpu.memory_space<hbm>> -> memref<32x128xf32, #tpu.memory_space<hbm>>
      %dma_start3A_445 = arith.constant 0 : i32
      %dma_start3A_446 = tpu.memref_slice %arg3[%dma_start3A_445, %multiple_of3A_442] : memref<32x1000001xf32, #tpu.memory_space<hbm>> -> memref<32x128xf32, #tpu.memory_space<hbm>>
      tpu.enqueue_dma source(%dma_start3A_446 : memref<32x128xf32, #tpu.memory_space<hbm>>) target(%arg6 : memref<32x128xf32, #tpu.memory_space<vmem>>) target_semaphore(%arg23 : memref<!tpu.dma_semaphore, #tpu.memory_space<semaphore_mem>>)
      %slice3A_447 = vector.extract_strided_slice %get3A_435 {offsets = [1], sizes = [1], strides = [1]} : vector<16xi32> to vector<1xi32>
      %squeeze3A_448 = vector.extract %slice3A_447[0] : i32 from vector<1xi32>
      %shift_right_logical3A_449 = arith.constant 7 : i32
      %shift_right_logical3A_450 = arith.shrui %squeeze3A_448, %shift_right_logical3A_449 : i32
      %shift_left3A_451 = arith.constant 7 : i32
      %shift_left3A_452 = arith.shli %shift_right_logical3A_450, %shift_left3A_451 : i32
      %multiple_of3A_453 = tpu.assume_multiple %shift_left3A_452, 128 : i32
      %dma_start3A_454 = arith.constant 0 : i32
      %dma_start3A_455 = tpu.memref_slice %arg3[%dma_start3A_454, %multiple_of3A_453] : memref<32x1000001xf32, #tpu.memory_space<hbm>> -> memref<32x128xf32, #tpu.memory_space<hbm>>
      %dma_start3A_456 = arith.constant 0 : i32
      %dma_start3A_457 = tpu.memref_slice %arg3[%dma_start3A_456, %multiple_of3A_453] : memref<32x1000001xf32, #tpu.memory_space<hbm>> -> memref<32x128xf32, #tpu.memory_space<hbm>>
      tpu.enqueue_dma source(%dma_start3A_457 : memref<32x128xf32, #tpu.memory_space<hbm>>) target(%arg7 : memref<32x128xf32, #tpu.memory_space<vmem>>) target_semaphore(%arg23 : memref<!tpu.dma_semaphore, #tpu.memory_space<semaphore_mem>>)
      %slice3A_458 = vector.extract_strided_slice %get3A_435 {offsets = [2], sizes = [1], strides = [1]} : vector<16xi32> to vector<1xi32>
      %squeeze3A_459 = vector.extract %slice3A_458[0] : i32 from vector<1xi32>
      %shift_right_logical3A_460 = arith.constant 7 : i32
      %shift_right_logical3A_461 = arith.shrui %squeeze3A_459, %shift_right_logical3A_460 : i32
      %shift_left3A_462 = arith.constant 7 : i32
      %shift_left3A_463 = arith.shli %shift_right_logical3A_461, %shift_left3A_462 : i32
      %multiple_of3A_464 = tpu.assume_multiple %shift_left3A_463, 128 : i32
      %dma_start3A_465 = arith.constant 0 : i32
      %dma_start3A_466 = tpu.memref_slice %arg3[%dma_start3A_465, %multiple_of3A_464] : memref<32x1000001xf32, #tpu.memory_space<hbm>> -> memref<32x128xf32, #tpu.memory_space<hbm>>
      %dma_start3A_467 = arith.constant 0 : i32
      %dma_start3A_468 = tpu.memref_slice %arg3[%dma_start3A_467, %multiple_of3A_464] : memref<32x1000001xf32, #tpu.memory_space<hbm>> -> memref<32x128xf32, #tpu.memory_space<hbm>>
      tpu.enqueue_dma source(%dma_start3A_468 : memref<32x128xf32, #tpu.memory_space<hbm>>) target(%arg8 : memref<32x128xf32, #tpu.memory_space<vmem>>) target_semaphore(%arg23 : memref<!tpu.dma_semaphore, #tpu.memory_space<semaphore_mem>>)
      %slice3A_469 = vector.extract_strided_slice %get3A_435 {offsets = [3], sizes = [1], strides = [1]} : vector<16xi32> to vector<1xi32>
      %squeeze3A_470 = vector.extract %slice3A_469[0] : i32 from vector<1xi32>
      %shift_right_logical3A_471 = arith.constant 7 : i32
      %shift_right_logical3A_472 = arith.shrui %squeeze3A_470, %shift_right_logical3A_471 : i32
      %shift_left3A_473 = arith.constant 7 : i32
      %shift_left3A_474 = arith.shli %shift_right_logical3A_472, %shift_left3A_473 : i32
      %multiple_of3A_475 = tpu.assume_multiple %shift_left3A_474, 128 : i32
      %dma_start3A_476 = arith.constant 0 : i32
      %dma_start3A_477 = tpu.memref_slice %arg3[%dma_start3A_476, %multiple_of3A_475] : memref<32x1000001xf32, #tpu.memory_space<hbm>> -> memref<32x128xf32, #tpu.memory_space<hbm>>
      %dma_start3A_478 = arith.constant 0 : i32
      %dma_start3A_479 = tpu.memref_slice %arg3[%dma_start3A_478, %multiple_of3A_475] : memref<32x1000001xf32, #tpu.memory_space<hbm>> -> memref<32x128xf32, #tpu.memory_space<hbm>>
      tpu.enqueue_dma source(%dma_start3A_479 : memref<32x128xf32, #tpu.memory_space<hbm>>) target(%arg9 : memref<32x128xf32, #tpu.memory_space<vmem>>) target_semaphore(%arg23 : memref<!tpu.dma_semaphore, #tpu.memory_space<semaphore_mem>>)
      %slice3A_480 = vector.extract_strided_slice %get3A_435 {offsets = [4], sizes = [1], strides = [1]} : vector<16xi32> to vector<1xi32>
      %squeeze3A_481 = vector.extract %slice3A_480[0] : i32 from vector<1xi32>
      %shift_right_logical3A_482 = arith.constant 7 : i32
      %shift_right_logical3A_483 = arith.shrui %squeeze3A_481, %shift_right_logical3A_482 : i32
      %shift_left3A_484 = arith.constant 7 : i32
      %shift_left3A_485 = arith.shli %shift_right_logical3A_483, %shift_left3A_484 : i32
      %multiple_of3A_486 = tpu.assume_multiple %shift_left3A_485, 128 : i32
      %dma_start3A_487 = arith.constant 0 : i32
      %dma_start3A_488 = tpu.memref_slice %arg3[%dma_start3A_487, %multiple_of3A_486] : memref<32x1000001xf32, #tpu.memory_space<hbm>> -> memref<32x128xf32, #tpu.memory_space<hbm>>
      %dma_start3A_489 = arith.constant 0 : i32
      %dma_start3A_490 = tpu.memref_slice %arg3[%dma_start3A_489, %multiple_of3A_486] : memref<32x1000001xf32, #tpu.memory_space<hbm>> -> memref<32x128xf32, #tpu.memory_space<hbm>>
      tpu.enqueue_dma source(%dma_start3A_490 : memref<32x128xf32, #tpu.memory_space<hbm>>) target(%arg10 : memref<32x128xf32, #tpu.memory_space<vmem>>) target_semaphore(%arg23 : memref<!tpu.dma_semaphore, #tpu.memory_space<semaphore_mem>>)
      %slice3A_491 = vector.extract_strided_slice %get3A_435 {offsets = [5], sizes = [1], strides = [1]} : vector<16xi32> to vector<1xi32>
      %squeeze3A_492 = vector.extract %slice3A_491[0] : i32 from vector<1xi32>
      %shift_right_logical3A_493 = arith.constant 7 : i32
      %shift_right_logical3A_494 = arith.shrui %squeeze3A_492, %shift_right_logical3A_493 : i32
      %shift_left3A_495 = arith.constant 7 : i32
      %shift_left3A_496 = arith.shli %shift_right_logical3A_494, %shift_left3A_495 : i32
      %multiple_of3A_497 = tpu.assume_multiple %shift_left3A_496, 128 : i32
      %dma_start3A_498 = arith.constant 0 : i32
      %dma_start3A_499 = tpu.memref_slice %arg3[%dma_start3A_498, %multiple_of3A_497] : memref<32x1000001xf32, #tpu.memory_space<hbm>> -> memref<32x128xf32, #tpu.memory_space<hbm>>
      %dma_start3A_500 = arith.constant 0 : i32
      %dma_start3A_501 = tpu.memref_slice %arg3[%dma_start3A_500, %multiple_of3A_497] : memref<32x1000001xf32, #tpu.memory_space<hbm>> -> memref<32x128xf32, #tpu.memory_space<hbm>>
      tpu.enqueue_dma source(%dma_start3A_501 : memref<32x128xf32, #tpu.memory_space<hbm>>) target(%arg11 : memref<32x128xf32, #tpu.memory_space<vmem>>) target_semaphore(%arg23 : memref<!tpu.dma_semaphore, #tpu.memory_space<semaphore_mem>>)
      %slice3A_502 = vector.extract_strided_slice %get3A_435 {offsets = [6], sizes = [1], strides = [1]} : vector<16xi32> to vector<1xi32>
      %squeeze3A_503 = vector.extract %slice3A_502[0] : i32 from vector<1xi32>
      %shift_right_logical3A_504 = arith.constant 7 : i32
      %shift_right_logical3A_505 = arith.shrui %squeeze3A_503, %shift_right_logical3A_504 : i32
      %shift_left3A_506 = arith.constant 7 : i32
      %shift_left3A_507 = arith.shli %shift_right_logical3A_505, %shift_left3A_506 : i32
      %multiple_of3A_508 = tpu.assume_multiple %shift_left3A_507, 128 : i32
      %dma_start3A_509 = arith.constant 0 : i32
      %dma_start3A_510 = tpu.memref_slice %arg3[%dma_start3A_509, %multiple_of3A_508] : memref<32x1000001xf32, #tpu.memory_space<hbm>> -> memref<32x128xf32, #tpu.memory_space<hbm>>
      %dma_start3A_511 = arith.constant 0 : i32
      %dma_start3A_512 = tpu.memref_slice %arg3[%dma_start3A_511, %multiple_of3A_508] : memref<32x1000001xf32, #tpu.memory_space<hbm>> -> memref<32x128xf32, #tpu.memory_space<hbm>>
      tpu.enqueue_dma source(%dma_start3A_512 : memref<32x128xf32, #tpu.memory_space<hbm>>) target(%arg12 : memref<32x128xf32, #tpu.memory_space<vmem>>) target_semaphore(%arg23 : memref<!tpu.dma_semaphore, #tpu.memory_space<semaphore_mem>>)
      %slice3A_513 = vector.extract_strided_slice %get3A_435 {offsets = [7], sizes = [1], strides = [1]} : vector<16xi32> to vector<1xi32>
      %squeeze3A_514 = vector.extract %slice3A_513[0] : i32 from vector<1xi32>
      %shift_right_logical3A_515 = arith.constant 7 : i32
      %shift_right_logical3A_516 = arith.shrui %squeeze3A_514, %shift_right_logical3A_515 : i32
      %shift_left3A_517 = arith.constant 7 : i32
      %shift_left3A_518 = arith.shli %shift_right_logical3A_516, %shift_left3A_517 : i32
      %multiple_of3A_519 = tpu.assume_multiple %shift_left3A_518, 128 : i32
      %dma_start3A_520 = arith.constant 0 : i32
      %dma_start3A_521 = tpu.memref_slice %arg3[%dma_start3A_520, %multiple_of3A_519] : memref<32x1000001xf32, #tpu.memory_space<hbm>> -> memref<32x128xf32, #tpu.memory_space<hbm>>
      %dma_start3A_522 = arith.constant 0 : i32
      %dma_start3A_523 = tpu.memref_slice %arg3[%dma_start3A_522, %multiple_of3A_519] : memref<32x1000001xf32, #tpu.memory_space<hbm>> -> memref<32x128xf32, #tpu.memory_space<hbm>>
      tpu.enqueue_dma source(%dma_start3A_523 : memref<32x128xf32, #tpu.memory_space<hbm>>) target(%arg13 : memref<32x128xf32, #tpu.memory_space<vmem>>) target_semaphore(%arg23 : memref<!tpu.dma_semaphore, #tpu.memory_space<semaphore_mem>>)
      %dma_wait3A_524 = arith.constant 0 : i32
      %dma_wait3A_525 = arith.constant 0 : i32
      %dma_wait3A_526 = tpu.memref_slice %arg3[%dma_wait3A_524, %dma_wait3A_525] : memref<32x1000001xf32, #tpu.memory_space<hbm>> -> memref<32x128xf32, #tpu.memory_space<hbm>>
      %dma_wait3A_527 = arith.constant 0 : i32
      %dma_wait3A_528 = arith.constant 0 : i32
      %dma_wait3A_529 = tpu.memref_slice %arg3[%dma_wait3A_527, %dma_wait3A_528] : memref<32x1000001xf32, #tpu.memory_space<hbm>> -> memref<32x128xf32, #tpu.memory_space<hbm>>
      tpu.wait_dma2 semaphore(%arg24 : memref<!tpu.dma_semaphore, #tpu.memory_space<semaphore_mem>>) src(%dma_wait3A_529 : memref<32x128xf32, #tpu.memory_space<hbm>>) dst(%arg14 : memref<32x128xf32, #tpu.memory_space<vmem>>)
      %dma_wait3A_530 = arith.constant 0 : i32
      %dma_wait3A_531 = arith.constant 0 : i32
      %dma_wait3A_532 = tpu.memref_slice %arg3[%dma_wait3A_530, %dma_wait3A_531] : memref<32x1000001xf32, #tpu.memory_space<hbm>> -> memref<32x128xf32, #tpu.memory_space<hbm>>
      %dma_wait3A_533 = arith.constant 0 : i32
      %dma_wait3A_534 = arith.constant 0 : i32
      %dma_wait3A_535 = tpu.memref_slice %arg3[%dma_wait3A_533, %dma_wait3A_534] : memref<32x1000001xf32, #tpu.memory_space<hbm>> -> memref<32x128xf32, #tpu.memory_space<hbm>>
      tpu.wait_dma2 semaphore(%arg24 : memref<!tpu.dma_semaphore, #tpu.memory_space<semaphore_mem>>) src(%dma_wait3A_535 : memref<32x128xf32, #tpu.memory_space<hbm>>) dst(%arg15 : memref<32x128xf32, #tpu.memory_space<vmem>>)
      %dma_wait3A_536 = arith.constant 0 : i32
      %dma_wait3A_537 = arith.constant 0 : i32
      %dma_wait3A_538 = tpu.memref_slice %arg3[%dma_wait3A_536, %dma_wait3A_537] : memref<32x1000001xf32, #tpu.memory_space<hbm>> -> memref<32x128xf32, #tpu.memory_space<hbm>>
      %dma_wait3A_539 = arith.constant 0 : i32
      %dma_wait3A_540 = arith.constant 0 : i32
      %dma_wait3A_541 = tpu.memref_slice %arg3[%dma_wait3A_539, %dma_wait3A_540] : memref<32x1000001xf32, #tpu.memory_space<hbm>> -> memref<32x128xf32, #tpu.memory_space<hbm>>
      tpu.wait_dma2 semaphore(%arg24 : memref<!tpu.dma_semaphore, #tpu.memory_space<semaphore_mem>>) src(%dma_wait3A_541 : memref<32x128xf32, #tpu.memory_space<hbm>>) dst(%arg16 : memref<32x128xf32, #tpu.memory_space<vmem>>)
      %dma_wait3A_542 = arith.constant 0 : i32
      %dma_wait3A_543 = arith.constant 0 : i32
      %dma_wait3A_544 = tpu.memref_slice %arg3[%dma_wait3A_542, %dma_wait3A_543] : memref<32x1000001xf32, #tpu.memory_space<hbm>> -> memref<32x128xf32, #tpu.memory_space<hbm>>
      %dma_wait3A_545 = arith.constant 0 : i32
      %dma_wait3A_546 = arith.constant 0 : i32
      %dma_wait3A_547 = tpu.memref_slice %arg3[%dma_wait3A_545, %dma_wait3A_546] : memref<32x1000001xf32, #tpu.memory_space<hbm>> -> memref<32x128xf32, #tpu.memory_space<hbm>>
      tpu.wait_dma2 semaphore(%arg24 : memref<!tpu.dma_semaphore, #tpu.memory_space<semaphore_mem>>) src(%dma_wait3A_547 : memref<32x128xf32, #tpu.memory_space<hbm>>) dst(%arg17 : memref<32x128xf32, #tpu.memory_space<vmem>>)
      %dma_wait3A_548 = arith.constant 0 : i32
      %dma_wait3A_549 = arith.constant 0 : i32
      %dma_wait3A_550 = tpu.memref_slice %arg3[%dma_wait3A_548, %dma_wait3A_549] : memref<32x1000001xf32, #tpu.memory_space<hbm>> -> memref<32x128xf32, #tpu.memory_space<hbm>>
      %dma_wait3A_551 = arith.constant 0 : i32
      %dma_wait3A_552 = arith.constant 0 : i32
      %dma_wait3A_553 = tpu.memref_slice %arg3[%dma_wait3A_551, %dma_wait3A_552] : memref<32x1000001xf32, #tpu.memory_space<hbm>> -> memref<32x128xf32, #tpu.memory_space<hbm>>
      tpu.wait_dma2 semaphore(%arg24 : memref<!tpu.dma_semaphore, #tpu.memory_space<semaphore_mem>>) src(%dma_wait3A_553 : memref<32x128xf32, #tpu.memory_space<hbm>>) dst(%arg18 : memref<32x128xf32, #tpu.memory_space<vmem>>)
      %dma_wait3A_554 = arith.constant 0 : i32
      %dma_wait3A_555 = arith.constant 0 : i32
      %dma_wait3A_556 = tpu.memref_slice %arg3[%dma_wait3A_554, %dma_wait3A_555] : memref<32x1000001xf32, #tpu.memory_space<hbm>> -> memref<32x128xf32, #tpu.memory_space<hbm>>
      %dma_wait3A_557 = arith.constant 0 : i32
      %dma_wait3A_558 = arith.constant 0 : i32
      %dma_wait3A_559 = tpu.memref_slice %arg3[%dma_wait3A_557, %dma_wait3A_558] : memref<32x1000001xf32, #tpu.memory_space<hbm>> -> memref<32x128xf32, #tpu.memory_space<hbm>>
      tpu.wait_dma2 semaphore(%arg24 : memref<!tpu.dma_semaphore, #tpu.memory_space<semaphore_mem>>) src(%dma_wait3A_559 : memref<32x128xf32, #tpu.memory_space<hbm>>) dst(%arg19 : memref<32x128xf32, #tpu.memory_space<vmem>>)
      %dma_wait3A_560 = arith.constant 0 : i32
      %dma_wait3A_561 = arith.constant 0 : i32
      %dma_wait3A_562 = tpu.memref_slice %arg3[%dma_wait3A_560, %dma_wait3A_561] : memref<32x1000001xf32, #tpu.memory_space<hbm>> -> memref<32x128xf32, #tpu.memory_space<hbm>>
      %dma_wait3A_563 = arith.constant 0 : i32
      %dma_wait3A_564 = arith.constant 0 : i32
      %dma_wait3A_565 = tpu.memref_slice %arg3[%dma_wait3A_563, %dma_wait3A_564] : memref<32x1000001xf32, #tpu.memory_space<hbm>> -> memref<32x128xf32, #tpu.memory_space<hbm>>
      tpu.wait_dma2 semaphore(%arg24 : memref<!tpu.dma_semaphore, #tpu.memory_space<semaphore_mem>>) src(%dma_wait3A_565 : memref<32x128xf32, #tpu.memory_space<hbm>>) dst(%arg20 : memref<32x128xf32, #tpu.memory_space<vmem>>)
      %dma_wait3A_566 = arith.constant 0 : i32
      %dma_wait3A_567 = arith.constant 0 : i32
      %dma_wait3A_568 = tpu.memref_slice %arg3[%dma_wait3A_566, %dma_wait3A_567] : memref<32x1000001xf32, #tpu.memory_space<hbm>> -> memref<32x128xf32, #tpu.memory_space<hbm>>
      %dma_wait3A_569 = arith.constant 0 : i32
      %dma_wait3A_570 = arith.constant 0 : i32
      %dma_wait3A_571 = tpu.memref_slice %arg3[%dma_wait3A_569, %dma_wait3A_570] : memref<32x1000001xf32, #tpu.memory_space<hbm>> -> memref<32x128xf32, #tpu.memory_space<hbm>>
      tpu.wait_dma2 semaphore(%arg24 : memref<!tpu.dma_semaphore, #tpu.memory_space<semaphore_mem>>) src(%dma_wait3A_571 : memref<32x128xf32, #tpu.memory_space<hbm>>) dst(%arg21 : memref<32x128xf32, #tpu.memory_space<vmem>>)
      %add3A_572 = arith.constant 1 : i32
      %add3A_573 = arith.addi %mul3A_142, %add3A_572 : i32
      %mul3A_574 = arith.constant 8 : i32
      %mul3A_575 = arith.muli %add3A_573, %mul3A_574 : i32
      %add3A_576 = arith.constant 0 : i32
      %add3A_577 = arith.addi %mul3A_575, %add3A_576 : i32
      %broadcast_in_dim3A_578 = vector.broadcast %add3A_577 : i32 to vector<16xi32>
      %gather3A_579 = tpu.vector_load_idx %arg5[%broadcast_in_dim3A_578] : memref<528xi32, #tpu.memory_space<vmem>>[vector<16xi32>], vector<16xi32>,
      %and3A_580 = arith.constant 127 : i32
      %and3A_581 = vector.broadcast %and3A_580 : i32 to vector<16xi32>
      %and3A_582 = arith.andi %gather3A_579, %and3A_581 : vector<16xi32>
      %add3A_583 = arith.constant 0 : i32
      %add3A_584 = arith.addi %mul3A_575, %add3A_583 : i32
      %broadcast_in_dim3A_585 = vector.broadcast %add3A_584 : i32 to vector<16xi32>
      %gather3A_586 = tpu.vector_load_idx %arg14[%iota3A, %and3A_582] : memref<32x128xf32, #tpu.memory_space<vmem>>[vector<16xi32>, vector<16xi32>], vector<16xf32>,
      %add3A_587 = arith.constant 16 : i32
      %add3A_588 = vector.broadcast %add3A_587 : i32 to vector<16xi32>
      %add3A_589 = arith.addi %iota3A, %add3A_588 : vector<16xi32>
      %gather3A_590 = tpu.vector_load_idx %arg14[%add3A_589, %and3A_582] : memref<32x128xf32, #tpu.memory_space<vmem>>[vector<16xi32>, vector<16xi32>], vector<16xf32>,
      tpu.vector_store_idx %arg22[%iota3A, %broadcast_in_dim3A_585], %gather3A_586 : memref<32x512xf32, #tpu.memory_space<vmem>>[vector<16xi32>, vector<16xi32>], vector<16xf32>,
      %add3A_591 = arith.constant 16 : i32
      %add3A_592 = vector.broadcast %add3A_591 : i32 to vector<16xi32>
      %add3A_593 = arith.addi %iota3A, %add3A_592 : vector<16xi32>
      tpu.vector_store_idx %arg22[%add3A_593, %broadcast_in_dim3A_585], %gather3A_590 : memref<32x512xf32, #tpu.memory_space<vmem>>[vector<16xi32>, vector<16xi32>], vector<16xf32>,
      %add3A_594 = arith.constant 1 : i32
      %add3A_595 = arith.addi %mul3A_575, %add3A_594 : i32
      %broadcast_in_dim3A_596 = vector.broadcast %add3A_595 : i32 to vector<16xi32>
      %gather3A_597 = tpu.vector_load_idx %arg5[%broadcast_in_dim3A_596] : memref<528xi32, #tpu.memory_space<vmem>>[vector<16xi32>], vector<16xi32>,
      %and3A_598 = arith.constant 127 : i32
      %and3A_599 = vector.broadcast %and3A_598 : i32 to vector<16xi32>
      %and3A_600 = arith.andi %gather3A_597, %and3A_599 : vector<16xi32>
      %add3A_601 = arith.constant 1 : i32
      %add3A_602 = arith.addi %mul3A_575, %add3A_601 : i32
      %broadcast_in_dim3A_603 = vector.broadcast %add3A_602 : i32 to vector<16xi32>
      %gather3A_604 = tpu.vector_load_idx %arg15[%iota3A, %and3A_600] : memref<32x128xf32, #tpu.memory_space<vmem>>[vector<16xi32>, vector<16xi32>], vector<16xf32>,
      %add3A_605 = arith.constant 16 : i32
      %add3A_606 = vector.broadcast %add3A_605 : i32 to vector<16xi32>
      %add3A_607 = arith.addi %iota3A, %add3A_606 : vector<16xi32>
      %gather3A_608 = tpu.vector_load_idx %arg15[%add3A_607, %and3A_600] : memref<32x128xf32, #tpu.memory_space<vmem>>[vector<16xi32>, vector<16xi32>], vector<16xf32>,
      tpu.vector_store_idx %arg22[%iota3A, %broadcast_in_dim3A_603], %gather3A_604 : memref<32x512xf32, #tpu.memory_space<vmem>>[vector<16xi32>, vector<16xi32>], vector<16xf32>,
      %add3A_609 = arith.constant 16 : i32
      %add3A_610 = vector.broadcast %add3A_609 : i32 to vector<16xi32>
      %add3A_611 = arith.addi %iota3A, %add3A_610 : vector<16xi32>
      tpu.vector_store_idx %arg22[%add3A_611, %broadcast_in_dim3A_603], %gather3A_608 : memref<32x512xf32, #tpu.memory_space<vmem>>[vector<16xi32>, vector<16xi32>], vector<16xf32>,
      %add3A_612 = arith.constant 2 : i32
      %add3A_613 = arith.addi %mul3A_575, %add3A_612 : i32
      %broadcast_in_dim3A_614 = vector.broadcast %add3A_613 : i32 to vector<16xi32>
      %gather3A_615 = tpu.vector_load_idx %arg5[%broadcast_in_dim3A_614] : memref<528xi32, #tpu.memory_space<vmem>>[vector<16xi32>], vector<16xi32>,
      %and3A_616 = arith.constant 127 : i32
      %and3A_617 = vector.broadcast %and3A_616 : i32 to vector<16xi32>
      %and3A_618 = arith.andi %gather3A_615, %and3A_617 : vector<16xi32>
      %add3A_619 = arith.constant 2 : i32
      %add3A_620 = arith.addi %mul3A_575, %add3A_619 : i32
      %broadcast_in_dim3A_621 = vector.broadcast %add3A_620 : i32 to vector<16xi32>
      %gather3A_622 = tpu.vector_load_idx %arg16[%iota3A, %and3A_618] : memref<32x128xf32, #tpu.memory_space<vmem>>[vector<16xi32>, vector<16xi32>], vector<16xf32>,
      %add3A_623 = arith.constant 16 : i32
      %add3A_624 = vector.broadcast %add3A_623 : i32 to vector<16xi32>
      %add3A_625 = arith.addi %iota3A, %add3A_624 : vector<16xi32>
      %gather3A_626 = tpu.vector_load_idx %arg16[%add3A_625, %and3A_618] : memref<32x128xf32, #tpu.memory_space<vmem>>[vector<16xi32>, vector<16xi32>], vector<16xf32>,
      tpu.vector_store_idx %arg22[%iota3A, %broadcast_in_dim3A_621], %gather3A_622 : memref<32x512xf32, #tpu.memory_space<vmem>>[vector<16xi32>, vector<16xi32>], vector<16xf32>,
      %add3A_627 = arith.constant 16 : i32
      %add3A_628 = vector.broadcast %add3A_627 : i32 to vector<16xi32>
      %add3A_629 = arith.addi %iota3A, %add3A_628 : vector<16xi32>
      tpu.vector_store_idx %arg22[%add3A_629, %broadcast_in_dim3A_621], %gather3A_626 : memref<32x512xf32, #tpu.memory_space<vmem>>[vector<16xi32>, vector<16xi32>], vector<16xf32>,
      %add3A_630 = arith.constant 3 : i32
      %add3A_631 = arith.addi %mul3A_575, %add3A_630 : i32
      %broadcast_in_dim3A_632 = vector.broadcast %add3A_631 : i32 to vector<16xi32>
      %gather3A_633 = tpu.vector_load_idx %arg5[%broadcast_in_dim3A_632] : memref<528xi32, #tpu.memory_space<vmem>>[vector<16xi32>], vector<16xi32>,
      %and3A_634 = arith.constant 127 : i32
      %and3A_635 = vector.broadcast %and3A_634 : i32 to vector<16xi32>
      %and3A_636 = arith.andi %gather3A_633, %and3A_635 : vector<16xi32>
      %add3A_637 = arith.constant 3 : i32
      %add3A_638 = arith.addi %mul3A_575, %add3A_637 : i32
      %broadcast_in_dim3A_639 = vector.broadcast %add3A_638 : i32 to vector<16xi32>
      %gather3A_640 = tpu.vector_load_idx %arg17[%iota3A, %and3A_636] : memref<32x128xf32, #tpu.memory_space<vmem>>[vector<16xi32>, vector<16xi32>], vector<16xf32>,
      %add3A_641 = arith.constant 16 : i32
      %add3A_642 = vector.broadcast %add3A_641 : i32 to vector<16xi32>
      %add3A_643 = arith.addi %iota3A, %add3A_642 : vector<16xi32>
      %gather3A_644 = tpu.vector_load_idx %arg17[%add3A_643, %and3A_636] : memref<32x128xf32, #tpu.memory_space<vmem>>[vector<16xi32>, vector<16xi32>], vector<16xf32>,
      tpu.vector_store_idx %arg22[%iota3A, %broadcast_in_dim3A_639], %gather3A_640 : memref<32x512xf32, #tpu.memory_space<vmem>>[vector<16xi32>, vector<16xi32>], vector<16xf32>,
      %add3A_645 = arith.constant 16 : i32
      %add3A_646 = vector.broadcast %add3A_645 : i32 to vector<16xi32>
      %add3A_647 = arith.addi %iota3A, %add3A_646 : vector<16xi32>
      tpu.vector_store_idx %arg22[%add3A_647, %broadcast_in_dim3A_639], %gather3A_644 : memref<32x512xf32, #tpu.memory_space<vmem>>[vector<16xi32>, vector<16xi32>], vector<16xf32>,
      %add3A_648 = arith.constant 4 : i32
      %add3A_649 = arith.addi %mul3A_575, %add3A_648 : i32
      %broadcast_in_dim3A_650 = vector.broadcast %add3A_649 : i32 to vector<16xi32>
      %gather3A_651 = tpu.vector_load_idx %arg5[%broadcast_in_dim3A_650] : memref<528xi32, #tpu.memory_space<vmem>>[vector<16xi32>], vector<16xi32>,
      %and3A_652 = arith.constant 127 : i32
      %and3A_653 = vector.broadcast %and3A_652 : i32 to vector<16xi32>
      %and3A_654 = arith.andi %gather3A_651, %and3A_653 : vector<16xi32>
      %add3A_655 = arith.constant 4 : i32
      %add3A_656 = arith.addi %mul3A_575, %add3A_655 : i32
      %broadcast_in_dim3A_657 = vector.broadcast %add3A_656 : i32 to vector<16xi32>
      %gather3A_658 = tpu.vector_load_idx %arg18[%iota3A, %and3A_654] : memref<32x128xf32, #tpu.memory_space<vmem>>[vector<16xi32>, vector<16xi32>], vector<16xf32>,
      %add3A_659 = arith.constant 16 : i32
      %add3A_660 = vector.broadcast %add3A_659 : i32 to vector<16xi32>
      %add3A_661 = arith.addi %iota3A, %add3A_660 : vector<16xi32>
      %gather3A_662 = tpu.vector_load_idx %arg18[%add3A_661, %and3A_654] : memref<32x128xf32, #tpu.memory_space<vmem>>[vector<16xi32>, vector<16xi32>], vector<16xf32>,
      tpu.vector_store_idx %arg22[%iota3A, %broadcast_in_dim3A_657], %gather3A_658 : memref<32x512xf32, #tpu.memory_space<vmem>>[vector<16xi32>, vector<16xi32>], vector<16xf32>,
      %add3A_663 = arith.constant 16 : i32
      %add3A_664 = vector.broadcast %add3A_663 : i32 to vector<16xi32>
      %add3A_665 = arith.addi %iota3A, %add3A_664 : vector<16xi32>
      tpu.vector_store_idx %arg22[%add3A_665, %broadcast_in_dim3A_657], %gather3A_662 : memref<32x512xf32, #tpu.memory_space<vmem>>[vector<16xi32>, vector<16xi32>], vector<16xf32>,
      %add3A_666 = arith.constant 5 : i32
      %add3A_667 = arith.addi %mul3A_575, %add3A_666 : i32
      %broadcast_in_dim3A_668 = vector.broadcast %add3A_667 : i32 to vector<16xi32>
      %gather3A_669 = tpu.vector_load_idx %arg5[%broadcast_in_dim3A_668] : memref<528xi32, #tpu.memory_space<vmem>>[vector<16xi32>], vector<16xi32>,
      %and3A_670 = arith.constant 127 : i32
      %and3A_671 = vector.broadcast %and3A_670 : i32 to vector<16xi32>
      %and3A_672 = arith.andi %gather3A_669, %and3A_671 : vector<16xi32>
      %add3A_673 = arith.constant 5 : i32
      %add3A_674 = arith.addi %mul3A_575, %add3A_673 : i32
      %broadcast_in_dim3A_675 = vector.broadcast %add3A_674 : i32 to vector<16xi32>
      %gather3A_676 = tpu.vector_load_idx %arg19[%iota3A, %and3A_672] : memref<32x128xf32, #tpu.memory_space<vmem>>[vector<16xi32>, vector<16xi32>], vector<16xf32>,
      %add3A_677 = arith.constant 16 : i32
      %add3A_678 = vector.broadcast %add3A_677 : i32 to vector<16xi32>
      %add3A_679 = arith.addi %iota3A, %add3A_678 : vector<16xi32>
      %gather3A_680 = tpu.vector_load_idx %arg19[%add3A_679, %and3A_672] : memref<32x128xf32, #tpu.memory_space<vmem>>[vector<16xi32>, vector<16xi32>], vector<16xf32>,
      tpu.vector_store_idx %arg22[%iota3A, %broadcast_in_dim3A_675], %gather3A_676 : memref<32x512xf32, #tpu.memory_space<vmem>>[vector<16xi32>, vector<16xi32>], vector<16xf32>,
      %add3A_681 = arith.constant 16 : i32
      %add3A_682 = vector.broadcast %add3A_681 : i32 to vector<16xi32>
      %add3A_683 = arith.addi %iota3A, %add3A_682 : vector<16xi32>
      tpu.vector_store_idx %arg22[%add3A_683, %broadcast_in_dim3A_675], %gather3A_680 : memref<32x512xf32, #tpu.memory_space<vmem>>[vector<16xi32>, vector<16xi32>], vector<16xf32>,
      %add3A_684 = arith.constant 6 : i32
      %add3A_685 = arith.addi %mul3A_575, %add3A_684 : i32
      %broadcast_in_dim3A_686 = vector.broadcast %add3A_685 : i32 to vector<16xi32>
      %gather3A_687 = tpu.vector_load_idx %arg5[%broadcast_in_dim3A_686] : memref<528xi32, #tpu.memory_space<vmem>>[vector<16xi32>], vector<16xi32>,
      %and3A_688 = arith.constant 127 : i32
      %and3A_689 = vector.broadcast %and3A_688 : i32 to vector<16xi32>
      %and3A_690 = arith.andi %gather3A_687, %and3A_689 : vector<16xi32>
      %add3A_691 = arith.constant 6 : i32
      %add3A_692 = arith.addi %mul3A_575, %add3A_691 : i32
      %broadcast_in_dim3A_693 = vector.broadcast %add3A_692 : i32 to vector<16xi32>
      %gather3A_694 = tpu.vector_load_idx %arg20[%iota3A, %and3A_690] : memref<32x128xf32, #tpu.memory_space<vmem>>[vector<16xi32>, vector<16xi32>], vector<16xf32>,
      %add3A_695 = arith.constant 16 : i32
      %add3A_696 = vector.broadcast %add3A_695 : i32 to vector<16xi32>
      %add3A_697 = arith.addi %iota3A, %add3A_696 : vector<16xi32>
      %gather3A_698 = tpu.vector_load_idx %arg20[%add3A_697, %and3A_690] : memref<32x128xf32, #tpu.memory_space<vmem>>[vector<16xi32>, vector<16xi32>], vector<16xf32>,
      tpu.vector_store_idx %arg22[%iota3A, %broadcast_in_dim3A_693], %gather3A_694 : memref<32x512xf32, #tpu.memory_space<vmem>>[vector<16xi32>, vector<16xi32>], vector<16xf32>,
      %add3A_699 = arith.constant 16 : i32
      %add3A_700 = vector.broadcast %add3A_699 : i32 to vector<16xi32>
      %add3A_701 = arith.addi %iota3A, %add3A_700 : vector<16xi32>
      tpu.vector_store_idx %arg22[%add3A_701, %broadcast_in_dim3A_693], %gather3A_698 : memref<32x512xf32, #tpu.memory_space<vmem>>[vector<16xi32>, vector<16xi32>], vector<16xf32>,
      %add3A_702 = arith.constant 7 : i32
      %add3A_703 = arith.addi %mul3A_575, %add3A_702 : i32
      %broadcast_in_dim3A_704 = vector.broadcast %add3A_703 : i32 to vector<16xi32>
      %gather3A_705 = tpu.vector_load_idx %arg5[%broadcast_in_dim3A_704] : memref<528xi32, #tpu.memory_space<vmem>>[vector<16xi32>], vector<16xi32>,
      %and3A_706 = arith.constant 127 : i32
      %and3A_707 = vector.broadcast %and3A_706 : i32 to vector<16xi32>
      %and3A_708 = arith.andi %gather3A_705, %and3A_707 : vector<16xi32>
      %add3A_709 = arith.constant 7 : i32
      %add3A_710 = arith.addi %mul3A_575, %add3A_709 : i32
      %broadcast_in_dim3A_711 = vector.broadcast %add3A_710 : i32 to vector<16xi32>
      %gather3A_712 = tpu.vector_load_idx %arg21[%iota3A, %and3A_708] : memref<32x128xf32, #tpu.memory_space<vmem>>[vector<16xi32>, vector<16xi32>], vector<16xf32>,
      %add3A_713 = arith.constant 16 : i32
      %add3A_714 = vector.broadcast %add3A_713 : i32 to vector<16xi32>
      %add3A_715 = arith.addi %iota3A, %add3A_714 : vector<16xi32>
      %gather3A_716 = tpu.vector_load_idx %arg21[%add3A_715, %and3A_708] : memref<32x128xf32, #tpu.memory_space<vmem>>[vector<16xi32>, vector<16xi32>], vector<16xf32>,
      tpu.vector_store_idx %arg22[%iota3A, %broadcast_in_dim3A_711], %gather3A_712 : memref<32x512xf32, #tpu.memory_space<vmem>>[vector<16xi32>, vector<16xi32>], vector<16xf32>,
      %add3A_717 = arith.constant 16 : i32
      %add3A_718 = vector.broadcast %add3A_717 : i32 to vector<16xi32>
      %add3A_719 = arith.addi %iota3A, %add3A_718 : vector<16xi32>
      tpu.vector_store_idx %arg22[%add3A_719, %broadcast_in_dim3A_711], %gather3A_716 : memref<32x512xf32, #tpu.memory_space<vmem>>[vector<16xi32>, vector<16xi32>], vector<16xf32>,
    }
    %scan3A_92 = arith.constant 32 : i32
    %dma_wait3A = arith.constant 0 : i32
    %dma_wait3A_93 = arith.constant 0 : i32
    %dma_wait3A_94 = tpu.memref_slice %arg3[%dma_wait3A, %dma_wait3A_93] : memref<32x1000001xf32, #tpu.memory_space<hbm>> -> memref<32x128xf32, #tpu.memory_space<hbm>>
    %dma_wait3A_95 = arith.constant 0 : i32
    %dma_wait3A_96 = arith.constant 0 : i32
    %dma_wait3A_97 = tpu.memref_slice %arg3[%dma_wait3A_95, %dma_wait3A_96] : memref<32x1000001xf32, #tpu.memory_space<hbm>> -> memref<32x128xf32, #tpu.memory_space<hbm>>
    tpu.wait_dma2 semaphore(%arg23 : memref<!tpu.dma_semaphore, #tpu.memory_space<semaphore_mem>>) src(%dma_wait3A_97 : memref<32x128xf32, #tpu.memory_space<hbm>>) dst(%arg6 : memref<32x128xf32, #tpu.memory_space<vmem>>)
    %dma_wait3A_98 = arith.constant 0 : i32
    %dma_wait3A_99 = arith.constant 0 : i32
    %dma_wait3A_100 = tpu.memref_slice %arg3[%dma_wait3A_98, %dma_wait3A_99] : memref<32x1000001xf32, #tpu.memory_space<hbm>> -> memref<32x128xf32, #tpu.memory_space<hbm>>
    %dma_wait3A_101 = arith.constant 0 : i32
    %dma_wait3A_102 = arith.constant 0 : i32
    %dma_wait3A_103 = tpu.memref_slice %arg3[%dma_wait3A_101, %dma_wait3A_102] : memref<32x1000001xf32, #tpu.memory_space<hbm>> -> memref<32x128xf32, #tpu.memory_space<hbm>>
    tpu.wait_dma2 semaphore(%arg23 : memref<!tpu.dma_semaphore, #tpu.memory_space<semaphore_mem>>) src(%dma_wait3A_103 : memref<32x128xf32, #tpu.memory_space<hbm>>) dst(%arg7 : memref<32x128xf32, #tpu.memory_space<vmem>>)
    %dma_wait3A_104 = arith.constant 0 : i32
    %dma_wait3A_105 = arith.constant 0 : i32
    %dma_wait3A_106 = tpu.memref_slice %arg3[%dma_wait3A_104, %dma_wait3A_105] : memref<32x1000001xf32, #tpu.memory_space<hbm>> -> memref<32x128xf32, #tpu.memory_space<hbm>>
    %dma_wait3A_107 = arith.constant 0 : i32
    %dma_wait3A_108 = arith.constant 0 : i32
    %dma_wait3A_109 = tpu.memref_slice %arg3[%dma_wait3A_107, %dma_wait3A_108] : memref<32x1000001xf32, #tpu.memory_space<hbm>> -> memref<32x128xf32, #tpu.memory_space<hbm>>
    tpu.wait_dma2 semaphore(%arg23 : memref<!tpu.dma_semaphore, #tpu.memory_space<semaphore_mem>>) src(%dma_wait3A_109 : memref<32x128xf32, #tpu.memory_space<hbm>>) dst(%arg8 : memref<32x128xf32, #tpu.memory_space<vmem>>)
    %dma_wait3A_110 = arith.constant 0 : i32
    %dma_wait3A_111 = arith.constant 0 : i32
    %dma_wait3A_112 = tpu.memref_slice %arg3[%dma_wait3A_110, %dma_wait3A_111] : memref<32x1000001xf32, #tpu.memory_space<hbm>> -> memref<32x128xf32, #tpu.memory_space<hbm>>
    %dma_wait3A_113 = arith.constant 0 : i32
    %dma_wait3A_114 = arith.constant 0 : i32
    %dma_wait3A_115 = tpu.memref_slice %arg3[%dma_wait3A_113, %dma_wait3A_114] : memref<32x1000001xf32, #tpu.memory_space<hbm>> -> memref<32x128xf32, #tpu.memory_space<hbm>>
    tpu.wait_dma2 semaphore(%arg23 : memref<!tpu.dma_semaphore, #tpu.memory_space<semaphore_mem>>) src(%dma_wait3A_115 : memref<32x128xf32, #tpu.memory_space<hbm>>) dst(%arg9 : memref<32x128xf32, #tpu.memory_space<vmem>>)
    %dma_wait3A_116 = arith.constant 0 : i32
    %dma_wait3A_117 = arith.constant 0 : i32
    %dma_wait3A_118 = tpu.memref_slice %arg3[%dma_wait3A_116, %dma_wait3A_117] : memref<32x1000001xf32, #tpu.memory_space<hbm>> -> memref<32x128xf32, #tpu.memory_space<hbm>>
    %dma_wait3A_119 = arith.constant 0 : i32
    %dma_wait3A_120 = arith.constant 0 : i32
    %dma_wait3A_121 = tpu.memref_slice %arg3[%dma_wait3A_119, %dma_wait3A_120] : memref<32x1000001xf32, #tpu.memory_space<hbm>> -> memref<32x128xf32, #tpu.memory_space<hbm>>
    tpu.wait_dma2 semaphore(%arg23 : memref<!tpu.dma_semaphore, #tpu.memory_space<semaphore_mem>>) src(%dma_wait3A_121 : memref<32x128xf32, #tpu.memory_space<hbm>>) dst(%arg10 : memref<32x128xf32, #tpu.memory_space<vmem>>)
    %dma_wait3A_122 = arith.constant 0 : i32
    %dma_wait3A_123 = arith.constant 0 : i32
    %dma_wait3A_124 = tpu.memref_slice %arg3[%dma_wait3A_122, %dma_wait3A_123] : memref<32x1000001xf32, #tpu.memory_space<hbm>> -> memref<32x128xf32, #tpu.memory_space<hbm>>
    %dma_wait3A_125 = arith.constant 0 : i32
    %dma_wait3A_126 = arith.constant 0 : i32
    %dma_wait3A_127 = tpu.memref_slice %arg3[%dma_wait3A_125, %dma_wait3A_126] : memref<32x1000001xf32, #tpu.memory_space<hbm>> -> memref<32x128xf32, #tpu.memory_space<hbm>>
    tpu.wait_dma2 semaphore(%arg23 : memref<!tpu.dma_semaphore, #tpu.memory_space<semaphore_mem>>) src(%dma_wait3A_127 : memref<32x128xf32, #tpu.memory_space<hbm>>) dst(%arg11 : memref<32x128xf32, #tpu.memory_space<vmem>>)
    %dma_wait3A_128 = arith.constant 0 : i32
    %dma_wait3A_129 = arith.constant 0 : i32
    %dma_wait3A_130 = tpu.memref_slice %arg3[%dma_wait3A_128, %dma_wait3A_129] : memref<32x1000001xf32, #tpu.memory_space<hbm>> -> memref<32x128xf32, #tpu.memory_space<hbm>>
    %dma_wait3A_131 = arith.constant 0 : i32
    %dma_wait3A_132 = arith.constant 0 : i32
    %dma_wait3A_133 = tpu.memref_slice %arg3[%dma_wait3A_131, %dma_wait3A_132] : memref<32x1000001xf32, #tpu.memory_space<hbm>> -> memref<32x128xf32, #tpu.memory_space<hbm>>
    tpu.wait_dma2 semaphore(%arg23 : memref<!tpu.dma_semaphore, #tpu.memory_space<semaphore_mem>>) src(%dma_wait3A_133 : memref<32x128xf32, #tpu.memory_space<hbm>>) dst(%arg12 : memref<32x128xf32, #tpu.memory_space<vmem>>)
    %dma_wait3A_134 = arith.constant 0 : i32
    %dma_wait3A_135 = arith.constant 0 : i32
    %dma_wait3A_136 = tpu.memref_slice %arg3[%dma_wait3A_134, %dma_wait3A_135] : memref<32x1000001xf32, #tpu.memory_space<hbm>> -> memref<32x128xf32, #tpu.memory_space<hbm>>
    %dma_wait3A_137 = arith.constant 0 : i32
    %dma_wait3A_138 = arith.constant 0 : i32
    %dma_wait3A_139 = tpu.memref_slice %arg3[%dma_wait3A_137, %dma_wait3A_138] : memref<32x1000001xf32, #tpu.memory_space<hbm>> -> memref<32x128xf32, #tpu.memory_space<hbm>>
    tpu.wait_dma2 semaphore(%arg23 : memref<!tpu.dma_semaphore, #tpu.memory_space<semaphore_mem>>) src(%dma_wait3A_139 : memref<32x128xf32, #tpu.memory_space<hbm>>) dst(%arg13 : memref<32x128xf32, #tpu.memory_space<vmem>>)
    "tpu.region"() ({
      %run_scoped3A = tpu.sem_alloc : memref<!tpu.dma_semaphore, #tpu.memory_space<semaphore_mem>>
      %dma_start3A_140 = arith.constant 0 : i32
      %dma_start3A_141 = tpu.memref_slice %arg4[%dma_start3A_140, %mul3A_2] : memref<32x16384xf32, #tpu.memory_space<hbm>> -> memref<32x512xf32, #tpu.memory_space<hbm>>
      %dma_start3A_142 = arith.constant 0 : i32
      %dma_start3A_143 = tpu.memref_slice %arg4[%dma_start3A_142, %mul3A_2] : memref<32x16384xf32, #tpu.memory_space<hbm>> -> memref<32x512xf32, #tpu.memory_space<hbm>>
      tpu.enqueue_dma source(%arg22 : memref<32x512xf32, #tpu.memory_space<vmem>>) target(%dma_start3A_143 : memref<32x512xf32, #tpu.memory_space<hbm>>) target_semaphore(%run_scoped3A : memref<!tpu.dma_semaphore, #tpu.memory_space<semaphore_mem>>)
      %dma_wait3A_144 = arith.constant 0 : i32
      %dma_wait3A_145 = tpu.memref_slice %arg4[%dma_wait3A_144, %mul3A_2] : memref<32x16384xf32, #tpu.memory_space<hbm>> -> memref<32x512xf32, #tpu.memory_space<hbm>>
      %dma_wait3A_146 = arith.constant 0 : i32
      %dma_wait3A_147 = tpu.memref_slice %arg4[%dma_wait3A_146, %mul3A_2] : memref<32x16384xf32, #tpu.memory_space<hbm>> -> memref<32x512xf32, #tpu.memory_space<hbm>>
      tpu.wait_dma2 semaphore(%run_scoped3A : memref<!tpu.dma_semaphore, #tpu.memory_space<semaphore_mem>>) src(%arg22 : memref<32x512xf32, #tpu.memory_space<vmem>>) dst(%dma_wait3A_147 : memref<32x512xf32, #tpu.memory_space<hbm>>)
      tpu.yield
    }) : () -> ()
    return
  }
}

</mosaic_0001>

<sc_bundles>
// kernel: kernel.3.cloned.1.call-start
scs
__scs_entry_jumppad:
0x0: {  	(pc) =	sbr.rel $0x88, $3  }
0x1: {  	(tag) =	ssettag $0x0;
	lr =	simm.s32 $0x1  }
0x2: {  	[smem:$0x3F9F] =	sst lr;
	_ =	strace $0xD0000000  }
0x3: {  	_ = 	snop  }
0x4: {  	_ = 	snop  }
0x5: {  	_ = 	snop  }
0x6: {  	_ = 	snop  }
0x7: {  	_ = 	snop  }
__scs_overlays_trampoline_lowered:
0x8: {  	[smem:$0x3FAE] =	sst s0  }
0x9: {  	[smem:$0x3FAF] =	sst s1  }
0xa: {  	[smem:$0x3FB0] =	sst s2  }
0xb: {  	[smem:$0x3FB1] =	sst s3  }
0xc: {  	[smem:$0x3FB2] =	sst s4  }
0xd: {  	[smem:$0x3FB3] =	sst s5  }
0xe: {  	[smem:$0x3FB4] =	sst s6  }
0xf: {  	[smem:$0x3FB5] =	sst s7  }
0x10: {  	[smem:$0x3FB6] =	sst s8  }
0x11: {  	[smem:$0x3FB7] =	sst s9;
	s0 =	simm.s32 @!p0 $0x0  }
0x12: {  	s1 =	sld [smem:$0x3F9D];
	s0 =	simm.s32 @p0 $0x1  }
0x13: {  	[smem:$0x3FB8] =	sst s0;
	s0 =	simm.s32 @!p1 $0x0  }
0x14: {  	s2 =	sld [smem:$0x3F9C];
	s0 =	simm.s32 @p1 $0x1  }
0x15: {  	[smem:$0x3FB9] =	sst s0;
	s0 =	simm.s32 @!p2 $0x0  }
0x16: {  	s3 =	sld [smem:$0x3FDB];
	s0 =	simm.s32 @p2 $0x1  }
0x17: {  	s4 =	simm.s32 $0x1BF5;
	[smem:$0x3FBB] =	sst s0  }
0x18: {  	s0 =	sld [smem:$0x3F9E];
	_ =	swait.ge [sflag:s4], $0x0  }
0x19: {  	s7 =	sld [smem:$0x3F9F]  }
0x1a: {  	s8 =	sadd.s32 $0xFFFFE003, lr  }
0x1b: {  	s9 =	sadd.s32 $0xFFFFFEF7, lr;
	s5 =	simm.s32 $0xFFFFFFFF;
	p2 =	slt.u32 s8, $0xFFFFF086  }
0x1c: {  	p1 =	slt.u32 s9, $0xF7A;
	s5 =	simm.s32 @!p2 $0x0  }
0x1d: {  	s5 =	simm.s32 @p1 $0x1;
	p0 =	seq.s32 s7, s2  }
0x1e: {  	s7 =	smul.u32 @!p0 $0xF7A, s2;
	p2 =	seq.s32 @!p0 s5, $0x0  }
0x1f: {  	s9 =	smul.u32 $0xF7A, s1;
	s8 =	simm.s32 @!p0 $0x1BF5;
	p2 =	por !p2, p0  }
0x20: {  	[sflag:s8] =	ssyncset.s32 @!p0 $0xFFFFF086;
	s6 =	sadd.s32 @!p0 s3, s7;
	s7 =	simm.s32 @!p0 $0x108  }
0x21: {  	s3 =	sadd.s32 s3, s9;
	s6 =	sadd.s32 @!p0 $0x88, s6;
	s7 =	simm.s32 @p2 $0x1082  }
0x22: {  	[simem:s7], [sflag:s8] =	dma.local @!p0 [hbm:s6], $0xF7A  }
0x23: {  	s9 =	sor.u32 $0xD0000000, s2;
	s6 =	simm.s32 $0x108;
	_ =	swait.ge @!p0 [sflag:s8], $0x0  }
0x24: {  	s3 =	sadd.s32 $0x88, s3;
	s6 =	simm.s32 @!p1 $0x1082;
	[sflag:s4] =	ssyncset.s32 $0xFFFFF086  }
0x25: {  	[simem:s6], [sflag:s4] =	dma.local [hbm:s3], $0xF7A  }
0x26: {  	[smem:$0x3F9F] =	sst s1;
	(tag) =	ssettag s2;
	_ =	strace s9  }
0x27: {  	s1 =	sld [smem:$0x3FAF]  }
0x28: {  	s2 =	sld [smem:$0x3FB0]  }
0x29: {  	s4 =	sld [smem:$0x3FB2]  }
0x2a: {  	p0 =	seq.s32 s5, $0x0;
	s5 =	sld [smem:$0x3FB3]  }
0x2b: {  	s6 =	sld [smem:$0x3FB4]  }
0x2c: {  	s7 =	sld [smem:$0x3FB5]  }
0x2d: {  	s3 =	simm.s32 $0x108;
	s8 =	sld [smem:$0x3FB6]  }
0x2e: {  	s3 =	simm.s32 @!p0 $0x1082;
	s9 =	sld [smem:$0x3FB7]  }
0x2f: {  	lr =	sadd.s32 s0, s3;
	s0 =	sld [smem:$0x3FAE]  }
0x30: {  	s3 =	sld [smem:$0x3FB1]  }
0x31: {  	[smem:$0x3FBA] =	sst s10  }
0x32: {  	s10 =	sld [smem:$0x3FB8];
	_ =	sdelay $0x3  }
0x33: {  	p0 =	seq.s32 s10, $0x1;
	s10 =	sld [smem:$0x3FBA];
	_ =	sdelay $0x3  }
0x34: {  	[smem:$0x3FBA] =	sst s10  }
0x35: {  	s10 =	sld [smem:$0x3FB9];
	_ =	sdelay $0x3  }
0x36: {  	p1 =	seq.s32 s10, $0x1;
	s10 =	sld [smem:$0x3FBA];
	_ =	sdelay $0x3  }
0x37: {  	[smem:$0x3FBA] =	sst s10  }
0x38: {  	s10 =	sld [smem:$0x3FBB]  }
0x39: {  	_ = 	snop;
	(pc) =	sbr.ind lr, $3  }
0x3a: {  	_ = 	snop  }
0x3b: {  	_ = 	snop  }
0x3c: {  	p2 =	seq.s32 s10, $0x1;
	s10 =	sld [smem:$0x3FBA]  }
0x3d: {  	_ =	shalt  }
0x3e: {  	_ =	shalt  }
0x3f: {  	_ =	shalt  }
0x40: {  	_ =	shalt  }
0x41: {  	_ =	shalt  }
0x42: {  	_ =	shalt  }
0x43: {  	_ =	shalt  }
0x44: {  	_ =	shalt  }
0x45: {  	_ =	shalt  }
0x46: {  	_ =	shalt  }
0x47: {  	_ =	shalt  }
0x48: {  	_ =	shalt  }
0x49: {  	_ =	shalt  }
0x4a: {  	_ =	shalt  }
0x4b: {  	_ =	shalt  }
0x4c: {  	_ =	shalt  }
0x4d: {  	_ =	shalt  }
0x4e: {  	_ =	shalt  }
0x4f: {  	_ =	shalt  }
0x50: {  	_ =	shalt  }
0x51: {  	_ =	shalt  }
0x52: {  	_ =	shalt  }
0x53: {  	_ =	shalt  }
0x54: {  	_ =	shalt  }
0x55: {  	_ =	shalt  }
0x56: {  	_ =	shalt  }
0x57: {  	_ =	shalt  }
0x58: {  	_ =	shalt  }
0x59: {  	_ =	shalt  }
0x5a: {  	_ =	shalt  }
0x5b: {  	_ =	shalt  }
0x5c: {  	_ =	shalt  }
0x5d: {  	_ =	shalt  }
0x5e: {  	_ =	shalt  }
0x5f: {  	_ =	shalt  }
0x60: {  	_ =	shalt  }
0x61: {  	_ =	shalt  }
0x62: {  	_ =	shalt  }
0x63: {  	_ =	shalt  }
0x64: {  	_ =	shalt  }
0x65: {  	_ =	shalt  }
0x66: {  	_ =	shalt  }
0x67: {  	_ =	shalt  }
0x68: {  	_ =	shalt  }
0x69: {  	_ =	shalt  }
0x6a: {  	_ =	shalt  }
0x6b: {  	_ =	shalt  }
0x6c: {  	_ =	shalt  }
0x6d: {  	_ =	shalt  }
0x6e: {  	_ =	shalt  }
0x6f: {  	_ =	shalt  }
0x70: {  	_ =	shalt  }
0x71: {  	_ =	shalt  }
0x72: {  	_ =	shalt  }
0x73: {  	_ =	shalt  }
0x74: {  	_ =	shalt  }
0x75: {  	_ =	shalt  }
0x76: {  	_ =	shalt  }
0x77: {  	_ =	shalt  }
0x78: {  	_ =	shalt  }
0x79: {  	_ =	shalt  }
0x7a: {  	_ =	shalt  }
0x7b: {  	_ =	shalt  }
0x7c: {  	_ =	shalt  }
0x7d: {  	_ =	shalt  }
0x7e: {  	_ =	shalt  }
0x7f: {  	_ =	shalt  }
0x80: {  	_ =	shalt  }
0x81: {  	_ =	shalt  }
0x82: {  	_ =	shalt  }
0x83: {  	_ =	shalt  }
0x84: {  	_ =	shalt  }
0x85: {  	_ =	shalt  }
0x86: {  	_ =	shalt  }
0x87: {  	_ =	shalt  }
.Lfunc_end0:
.L_simem_size_0:
called_computation_lowered:
.L_overlay_start_0:
0x88: {  	s2 =	sld [smem:$0x3FD9]  }
0x89: {  	s3 =	sld [smem:$0x3FFE];
	_ =	sdelay $0x1  }
0x8a: {  	s1 =	srdreg.scid  }
0x8b: {  	s0 =	sand.u32 $0x1, s1  }
0x8c: {  	s18 =	sshll.u32 s0, $0xA;
	s2 =	sadd.s32 s3, s2  }
0x8d: {  	s2 =	sadd.s32 s2, s18  }
0x8e: {  	[smem:$0x3FC6] =	sst s2  }
0x8f: {  	_ = 	snop  }
0x90: {  	s2 =	sld [smem:$0x3FC9]  }
0x91: {  	s19 =	sld [smem:$0x3FC8]  }
0x92: {  	s4 =	sld [smem:$0x3FD0];
	(tm) =	ssettm $0x1  }
0x93: {  	s5 =	sld [smem:$0x3FFB];
	_ =	sdelay $0x3  }
0x94: {  	_ =	strace s5  }
0x95: {  	s5 =	sld [smem:$0x3FFC];
	_ =	sdelay $0x3  }
0x96: {  	_ =	strace s5  }
0x97: {  	s5 =	sld [smem:$0x3FFD];
	_ =	sdelay $0x3  }
0x98: {  	_ =	strace s5  }
0x99: {  	_ =	strace $0x8FFFFFFF  }
0x9a: {  	s20 =	sld [smem:$0x3FDB];
	_ =	sdelay $0x1  }
0x9b: {  	s6 =	simm.s32 $_scs_section_size  }
0x9c: {  	s7 =	simm.s32 $_size__tile_overlayer_lowered;
	s8 =	simm.s32 $_tile_overlayer_lowered  }
0x9d: {  	s23 =	simm.s32 $0x1BFF;
	s22 =	sshll.u32 s8, $0x1;
	s5 =	sadd.s32 s6, s20  }
0x9e: {  	s9 =	simm.s32 $0x0;
	s21 =	sshll.u32 s7, $0x1;
	s7 =	sadd.s32 s22, s5  }
0x9f: {  	[timem:s9], [sflag:s23] =	dma.local [hbm:s7], s21  }
0xa0: {  	_ =	swait.ge [sflag:s23], s21  }
0xa1: {  	s6 =	ssub.s32 $0x0, s21;
	[sflag:s23] =	ssyncset.done $0x0  }
0xa2: {  	[sflag:s23] =	ssyncadd.s32 s6;
	_ =	sdelay $0x1  }
0xa3: {  	s24 =	simm.s32 $0x1B8B  }
0xa4: {  	_ =	swait.ge [sflag:s24], $0x1  }
0xa5: {  	[sflag:s24] =	ssyncset.done $0x0  }
0xa6: {  	s25 =	simm.s32 $0x1B8E;
	[sflag:s24] =	ssyncadd.s32 $0xFFFFFFFF  }
0xa7: {  	s26 =	simm.s32 $execute0_lowered;
	[smem:$0x3FD2] =	sst s25  }
0xa8: {  	s6 =	sshll.u32 s26, $0x1;
	_ =	strace $0x80000046;
	[dreg:$0x1] =	wrdreg $0xFFFFFFFF  }
0xa9: {  	s28 =	simm.s32 $_size_execute0_lowered;
	s5 =	sadd.s32 s5, s6;
	[dreg:$0x0] =	wrdreg $0x0  }
0xaa: {  	s6 =	sshll.u32 s28, $0x1;
	[dreg:$0x2] =	wrdreg s5  }
0xab: {  	[dreg:$0x3] =	wrdreg s6  }
0xac: {  	[dreg:$0x4] =	wrdreg $0xC0  }
0xad: {  	_ =	task [dreg:s9], $0x5FFFF  }
0xae: {  	[dreg:$0x1] =	wrdreg $0xFFFFFFFF  }
0xaf: {  	[dreg:$0x0] =	wrdreg $0x60  }
0xb0: {  	[dreg:$0x2] =	wrdreg s2  }
0xb1: {  	[dreg:$0x3] =	wrdreg s19  }
0xb2: {  	[dreg:$0x4] =	wrdreg s4  }
0xb3: {  	[dreg:$0x5] =	wrdreg $0x9  }
0xb4: {  	_ =	task.clear_ibuf [dreg:s9], $0x6FFFF;
	_ =	strace $0x90000046  }
0xb5: {  	s29 =	simm.s32 $0x9;
	_ =	strace $0x80000048  }
0xb6: {  	_ =	swait.ge [sflag:s29], $0x1  }
0xb7: {  	[sflag:s29] =	ssyncadd.s32 $0xFFFFFFFF  }
0xb8: {  	_ =	strace $0x90000048  }
0xb9: {  	_ =	sfence  }
0xba: {  	s30 =	sld [smem:$0x0];
	_ =	sdelay $0x2  }
0xbb: {  	s31 =	sshll.u32 s1, $0xD;
	s1 =	sshrl.u32 s1, $0x2  }
0xbc: {  	s3 =	sand.u32 $0x4000, s31;
	s1 =	sadd.s32 s1, s30  }
0xbd: {  	s0 =	sor.u32 s3, s0;
	s1 =	sshll.u32 s1, $0x11  }
0xbe: {  	s0 =	sor.u32 s1, s0  }
0xbf: {  	s0 =	sadd.s32 $0x8F2B, s0  }
0xc0: {  	[sflag:s0] =	ssyncadd.remote.s32 $0x1  }
0xc1: {  	_ =	sfence.sel $0xFFFF  }
0xc2: {  	[dreg:$0x0] =	wrdreg $0xFFFFFFFF;
	(pc) =	sbr.abs _section_cstart, $3  }
0xc3: {  	[dreg:$0x1] =	wrdreg $0xFFFFFFFF  }
0xc4: {  	_ =	task.clear_ibuf [dreg:s9], $0x2FFFF;
	_ =	strace $0x9FFFFFFF  }
0xc5: {  	(tm) =	ssettm $0x7FFFFFFF  }
tec
execute0_lowered:
.L_overlay_start_1:
0x0: {  	(tag) =	ssettag $0x1  }
0x1: {  	v1 =	vlaneseq.u32;
	v2 =	vimm.s32 $0x1380;
	vm0 =	vcmask $0x300  }
0x2: {  	v3 =	vimm.s32 $0x3380;
	vm1 =	vcmask $0x704;
	vm15 =	vcmask $0xB08  }
0x3: {  	s1 =	rddreg [dreg:$0x0];
	vm4 =	vcmask $0xF0C;
	v2 =	vsel vm0, $0x0, v2;
	v3 =	vsel vm0, $0x2000, v3  }
0x4: {  	s0 =	rddreg [dreg:$0x1];
	s2 =	srdreg.scid;
	vm5 =	vcmask $0x1310;
	v2 =	vsel vm1, $0x80, v2;
	v3 =	vsel vm1, $0x2080, v3  }
0x5: {  	s5 =	rddreg [dreg:$0x2];
	s3 =	stileid.u32;
	vm6 =	vcmask $0x1714;
	s8 =	simm.s32 $0x3;
	v2 =	vsel vm15, $0x100, v2;
	v3 =	vsel vm15, $0x2100, v3  }
0x6: {  	v0 =	vimm.s32 $0x0;
	s9 =	simm.s32 $0x7A1400;
	s10 =	simm.s32 $0x280;
	s11 =	simm.s32 $0x1280;
	v2 =	vsel vm4, $0x180, v2;
	v3 =	vsel vm4, $0x2180, v3  }
0x7: {  	vm7 =	vcmask $0x1B18;
	s12 =	simm.s32 $0x2280;
	s13 =	simm.s32 $0x3280;
	s14 =	simm.s32 $0x4280;
	v2 =	vsel vm5, $0x200, v2;
	v3 =	vsel vm5, $0x2200, v3  }
0x8: {  	vm8 =	vcmask $0x1F1C;
	s15 =	simm.s32 $0x5280;
	s16 =	simm.s32 $0x6280;
	s17 =	simm.s32 $0x7280;
	v2 =	vsel vm6, $0x280, v2;
	v3 =	vsel vm6, $0x2280, v3  }
0x9: {  	vm9 =	vcmask $0x2320;
	s18 =	simm.s32 $0x8280;
	s19 =	simm.s32 $0x9280;
	s20 =	simm.s32 $0xA280;
	v2 =	vsel vm7, $0x300, v2;
	v3 =	vsel vm7, $0x2300, v3  }
0xa: {  	vm10 =	vcmask $0x2724;
	s21 =	simm.s32 $0xB280;
	s22 =	simm.s32 $0xC280;
	s23 =	simm.s32 $0xD280;
	v2 =	vsel vm8, $0x380, v2;
	v3 =	vsel vm8, $0x2380, v3  }
0xb: {  	vm11 =	vcmask $0x2B28;
	s24 =	simm.s32 $0xE280;
	s25 =	simm.s32 $0xF280;
	s26 =	simm.s32 $0x1;
	v2 =	vsel vm9, $0x1000, v2;
	v3 =	vsel vm9, $0x3000, v3  }
0xc: {  	vm12 =	vcmask $0x2F2C;
	s28 =	simm.s32 $0x10280;
	s29 =	simm.s32 $0x2;
	s2 =	sand.u32 $0x1, s2;
	v2 =	vsel vm10, $0x1080, v2;
	v3 =	vsel vm10, $0x3080, v3  }
0xd: {  	vm13 =	vcmask $0x3330;
	s4 =	sshll.u32 s3, $0xA;
	s3 =	simm.s32 $0x0;
	s6 =	sshll.u32 s2, $0x9;
	v2 =	vsel vm11, $0x1100, v2;
	v3 =	vsel vm11, $0x3100, v3  }
0xe: {  	vm14 =	vcmask $0x3734;
	s2 =	ssub.s32 $0x2, s2;
	[smem:$0x7FF] =	sst s3;
	s6 =	sor.u32 s6, s4;
	v2 =	vsel vm12, $0x1180, v2;
	v3 =	vsel vm12, $0x3180, v3  }
0xf: {  	v1 =	vmul.u32 $0x80, v1;
	s31 =	sshrl.u32 s2, $0x1;
	_ =	strace $0x80000047;
	s7 =	sshrl.u32 s6, $0x3;
	v2 =	vsel vm13, $0x1200, v2;
	v3 =	vsel vm13, $0x3200, v3  }
0x10: {  	vm15 =	vcmask $0x3B38;
	s2 =	ssub.s32 s2, s31;
	s5 =	sadd.s32 s5, s6;
	s4 =	sadd.s32 s1, s7;
	v4 =	vsel vm14, $0x1280, v2;
	v5 =	vsel vm14, $0x3280, v3  }
0x11: {  	s6 =	smax.u32 s2, $0x1;
	s7 =	simm.s32 $0x400;
	s2 =	simm.s32 $0x0;
	v2 =	vor.u32 $0x800, v1;
	v3 =	vsel vm15, $0x1300, v4;
	v4 =	vsel vm15, $0x3300, v5  }
.LBB2_1:
0x12: {  	[tilespmem:s3], [sflag:$0x3] =	stream.linear.gather [hbm4b:s4+s3], $0x200, $0x38;
	[tilespmem:$0x14280] =	vst v63  }
0x13: {  	_ =	swait.ge [sflag:s8], $0x200  }
0x14: {  	[sflag:s8] =	ssyncset.done $0x0  }
0x15: {  	[sflag:s8] =	ssyncadd.s32 $0xFFFFFE00  }
0x16: {  	v5 =	vld [tilespmem:$0x0];
	_ =	sdelay $0x4  }
0x17: {  	(v2sf) =	vpush v5, $0x0  }
0x18: {  	(v2sf) =	vpush v5, $0x1;
	_ =	sdelay $0x2  }
0x19: {  	(v2sf) =	vpush v5, $0x2;
	_ =	sdelay $0x3  }
0x1a: {  	(v2sf) =	vpush v5, $0x3  }
0x1b: {  	(v2sf) =	vpush v5, $0x4;
	_ =	sdelay $0x5  }
0x1c: {  	s1 =	spop (v2sf);
	(v2sf) =	vpush v5, $0x5  }
0x1d: {  	s1 =	sand.u32 $0xFFFFF80, s1;
	s31 =	spop (v2sf);
	(v2sf) =	vpush v5, $0x6  }
0x1e: {  	[tilespmem:$0x200] =	vst v0;
	s1 =	sadd.s32 s0, s1  }
0x1f: {  	[tilespmem:s10], [sflag:$0x1] =	stream.strided.gather [hbm4b:s1+s7], $0x1000, s9, s7, $0x38;
	[tilespmem:$0x14280] =	vst v63  }
0x20: {  	s1 =	sand.u32 $0xFFFFF80, s31;
	s31 =	spop (v2sf);
	(v2sf) =	vpush v5, $0x7;
	_ =	sdelay $0x1  }
0x21: {  	s1 =	sadd.s32 s0, s1  }
0x22: {  	[tilespmem:s11], [sflag:$0x1] =	stream.strided.gather [hbm4b:s1+s7], $0x1000, s9, s7, $0x38;
	[tilespmem:$0x14280] =	vst v63  }
0x23: {  	s30 =	spop (v2sf);
	s1 =	sand.u32 $0xFFFFF80, s31  }
0x24: {  	s31 =	sand.u32 $0xFFFFF80, s30;
	s30 =	spop (v2sf);
	s1 =	sadd.s32 s0, s1  }
0x25: {  	[tilespmem:s12], [sflag:$0x1] =	stream.strided.gather [hbm4b:s1+s7], $0x1000, s9, s7, $0x38;
	[tilespmem:$0x14280] =	vst v63  }
0x26: {  	s1 =	sadd.s32 s0, s31;
	s31 =	sand.u32 $0xFFFFF80, s30  }
0x27: {  	[tilespmem:s13], [sflag:$0x1] =	stream.strided.gather [hbm4b:s1+s7], $0x1000, s9, s7, $0x38;
	[tilespmem:$0x14280] =	vst v63  }
0x28: {  	s1 =	sadd.s32 s0, s31  }
0x29: {  	[tilespmem:s14], [sflag:$0x1] =	stream.strided.gather [hbm4b:s1+s7], $0x1000, s9, s7, $0x38;
	[tilespmem:$0x14280] =	vst v63  }
0x2a: {  	s30 =	spop (v2sf)  }
0x2b: {  	s31 =	sand.u32 $0xFFFFF80, s30;
	s30 =	spop (v2sf)  }
0x2c: {  	s1 =	sadd.s32 s0, s31;
	s31 =	sand.u32 $0xFFFFF80, s30  }
0x2d: {  	[tilespmem:s15], [sflag:$0x1] =	stream.strided.gather [hbm4b:s1+s7], $0x1000, s9, s7, $0x38;
	[tilespmem:$0x14280] =	vst v63  }
0x2e: {  	s1 =	sadd.s32 s0, s31;
	s31 =	spop (v2sf)  }
0x2f: {  	[tilespmem:s16], [sflag:$0x1] =	stream.strided.gather [hbm4b:s1+s7], $0x1000, s9, s7, $0x38;
	[tilespmem:$0x14280] =	vst v63  }
0x30: {  	s1 =	sand.u32 $0xFFFFF80, s31  }
0x31: {  	s1 =	sadd.s32 s0, s1  }
0x32: {  	[tilespmem:s17], [sflag:$0x1] =	stream.strided.gather [hbm4b:s1+s7], $0x1000, s9, s7, $0x38;
	[tilespmem:$0x14280] =	vst v63  }
0x33: {  	s30 =	simm.s32 $0x0;
	s1 =	simm.s32 $0x0  }
.LBB2_2:
0x34: {  	s31 =	sshra.s32 s30, $0x2  }
0x35: {  	v5 =	vld [tilespmem:s31+$0x8];
	_ =	sdelay $0x4  }
0x36: {  	(v2sf) =	vpush v5, $0x0;
	_ =	sdelay $0x3  }
0x37: {  	(v2sf) =	vpush v5, $0x1;
	_ =	sdelay $0x3  }
0x38: {  	(v2sf) =	vpush v5, $0x2;
	_ =	sdelay $0x3  }
0x39: {  	(v2sf) =	vpush v5, $0x3;
	_ =	sdelay $0x2  }
0x3a: {  	s31 =	spop (v2sf)  }
0x3b: {  	(v2sf) =	vpush v5, $0x4;
	s31 =	sand.u32 $0xFFFFF80, s31  }
0x3c: {  	s31 =	sadd.s32 s0, s31  }
0x3d: {  	[tilespmem:s18], [sflag:$0x2] =	stream.strided.gather [hbm4b:s31+s7], $0x1000, s9, s7, $0x38;
	[tilespmem:$0x14280] =	vst v63  }
0x3e: {  	s31 =	spop (v2sf)  }
0x3f: {  	(v2sf) =	vpush v5, $0x5;
	s31 =	sand.u32 $0xFFFFF80, s31  }
0x40: {  	s31 =	sadd.s32 s0, s31  }
0x41: {  	[tilespmem:s19], [sflag:$0x2] =	stream.strided.gather [hbm4b:s31+s7], $0x1000, s9, s7, $0x38;
	[tilespmem:$0x14280] =	vst v63  }
0x42: {  	s31 =	spop (v2sf)  }
0x43: {  	(v2sf) =	vpush v5, $0x6;
	s31 =	sand.u32 $0xFFFFF80, s31  }
0x44: {  	s31 =	sadd.s32 s0, s31  }
0x45: {  	[tilespmem:s20], [sflag:$0x2] =	stream.strided.gather [hbm4b:s31+s7], $0x1000, s9, s7, $0x38;
	[tilespmem:$0x14280] =	vst v63  }
0x46: {  	s31 =	spop (v2sf)  }
0x47: {  	(v2sf) =	vpush v5, $0x7;
	s31 =	sand.u32 $0xFFFFF80, s31  }
0x48: {  	s31 =	sadd.s32 s0, s31  }
0x49: {  	[tilespmem:s21], [sflag:$0x2] =	stream.strided.gather [hbm4b:s31+s7], $0x1000, s9, s7, $0x38;
	[tilespmem:$0x14280] =	vst v63  }
0x4a: {  	s31 =	spop (v2sf)  }
0x4b: {  	s31 =	sand.u32 $0xFFFFF80, s31  }
0x4c: {  	s31 =	sadd.s32 s0, s31  }
0x4d: {  	[tilespmem:s22], [sflag:$0x2] =	stream.strided.gather [hbm4b:s31+s7], $0x1000, s9, s7, $0x38;
	[tilespmem:$0x14280] =	vst v63  }
0x4e: {  	s31 =	spop (v2sf)  }
0x4f: {  	s31 =	sand.u32 $0xFFFFF80, s31  }
0x50: {  	s31 =	sadd.s32 s0, s31  }
0x51: {  	[tilespmem:s23], [sflag:$0x2] =	stream.strided.gather [hbm4b:s31+s7], $0x1000, s9, s7, $0x38;
	[tilespmem:$0x14280] =	vst v63  }
0x52: {  	s31 =	spop (v2sf)  }
0x53: {  	s31 =	sand.u32 $0xFFFFF80, s31  }
0x54: {  	s31 =	sadd.s32 s0, s31  }
0x55: {  	[tilespmem:s24], [sflag:$0x2] =	stream.strided.gather [hbm4b:s31+s7], $0x1000, s9, s7, $0x38;
	[tilespmem:$0x14280] =	vst v63  }
0x56: {  	s31 =	spop (v2sf)  }
0x57: {  	s31 =	sand.u32 $0xFFFFF80, s31  }
0x58: {  	s31 =	sadd.s32 s0, s31  }
0x59: {  	[tilespmem:s25], [sflag:$0x2] =	stream.strided.gather [hbm4b:s31+s7], $0x1000, s9, s7, $0x38;
	[tilespmem:$0x14280] =	vst v63  }
0x5a: {  	_ =	swait.ge [sflag:s26], $0x1000  }
0x5b: {  	[sflag:s26] =	ssyncset.done $0x0  }
0x5c: {  	[sflag:s26] =	ssyncadd.s32 $0xFFFFF000  }
0x5d: {  	_ =	swait.ge [sflag:s26], $0x1000  }
0x5e: {  	[sflag:s26] =	ssyncset.done $0x0  }
0x5f: {  	[sflag:s26] =	ssyncadd.s32 $0xFFFFF000  }
0x60: {  	_ =	swait.ge [sflag:s26], $0x1000  }
0x61: {  	[sflag:s26] =	ssyncset.done $0x0  }
0x62: {  	[sflag:s26] =	ssyncadd.s32 $0xFFFFF000  }
0x63: {  	_ =	swait.ge [sflag:s26], $0x1000  }
0x64: {  	[sflag:s26] =	ssyncset.done $0x0  }
0x65: {  	[sflag:s26] =	ssyncadd.s32 $0xFFFFF000  }
0x66: {  	_ =	swait.ge [sflag:s26], $0x1000  }
0x67: {  	[sflag:s26] =	ssyncset.done $0x0  }
0x68: {  	[sflag:s26] =	ssyncadd.s32 $0xFFFFF000  }
0x69: {  	_ =	swait.ge [sflag:s26], $0x1000  }
0x6a: {  	[sflag:s26] =	ssyncset.done $0x0  }
0x6b: {  	[sflag:s26] =	ssyncadd.s32 $0xFFFFF000  }
0x6c: {  	_ =	swait.ge [sflag:s26], $0x1000  }
0x6d: {  	v5 =	vmov s1;
	[sflag:s26] =	ssyncset.done $0x0  }
0x6e: {  	[sflag:s26] =	ssyncadd.s32 $0xFFFFF000  }
0x6f: {  	_ =	swait.ge [sflag:s26], $0x1000  }
0x70: {  	[sflag:s26] =	ssyncset.done $0x0  }
0x71: {  	[sflag:s26] =	ssyncadd.s32 $0xFFFFF000  }
0x72: {  	v6 =	vld.idx.msk [tilespmem:v5+s3+$0x0], $0xffff;
	_ =	sdelay $0x4  }
0x73: {  	v6 =	vand.u32 $0x7F, v6  }
0x74: {  	v7 =	vor.u32 v1, v6  }
0x75: {  	v6 =	vor.u32 v2, v6  }
0x76: {  	v8 =	vshll.u32 v5, $0x3  }
0x77: {  	v8 =	vand.u32 $0xC00, v8;
	v5 =	vand.u32 $0x70, v5  }
0x78: {  	v5 =	vor.u32 v5, v8  }
0x79: {  	v8 =	vor.u32 v3, v5;
	v7 =	vld.idx.msk [tilespmem:v7+s10+$0x0], $0xffff  }
0x7a: {  	s31 =	sadd.s32 $0x1, s1;
	v5 =	vor.u32 v4, v5;
	v6 =	vld.idx.msk [tilespmem:v6+s10+$0x0], $0xffff  }
0x7b: {  	v9 =	vmov s31;
	_ =	sdelay $0x2  }
0x7c: {  	[tilespmem:v8+s28+$0x0] =	vst.idx.msk $0xffff, v7  }
0x7d: {  	[tilespmem:v5+s28+$0x0] =	vst.idx.msk $0xffff, v6  }
0x7e: {  	v5 =	vld.idx.msk [tilespmem:v9+s3+$0x0], $0xffff;
	_ =	sdelay $0x4  }
0x7f: {  	v5 =	vand.u32 $0x7F, v5  }
0x80: {  	v6 =	vor.u32 v1, v5  }
0x81: {  	v5 =	vor.u32 v2, v5  }
0x82: {  	v7 =	vshll.u32 v9, $0x3  }
0x83: {  	v36 =	vand.u32 $0x71, v9;
	v7 =	vand.u32 $0xC00, v7  }
0x84: {  	v7 =	vor.u32 v36, v7  }
0x85: {  	v8 =	vor.u32 v3, v7;
	v6 =	vld.idx.msk [tilespmem:v6+s11+$0x0], $0xffff  }
0x86: {  	s31 =	sadd.s32 $0x2, s1;
	v7 =	vor.u32 v4, v7;
	v5 =	vld.idx.msk [tilespmem:v5+s11+$0x0], $0xffff  }
0x87: {  	v37 =	vmov s31;
	_ =	sdelay $0x2  }
0x88: {  	[tilespmem:v8+s28+$0x0] =	vst.idx.msk $0xffff, v6  }
0x89: {  	[tilespmem:v7+s28+$0x0] =	vst.idx.msk $0xffff, v5  }
0x8a: {  	v5 =	vld.idx.msk [tilespmem:v37+s3+$0x0], $0xffff;
	_ =	sdelay $0x4  }
0x8b: {  	v5 =	vand.u32 $0x7F, v5  }
0x8c: {  	v6 =	vor.u32 v1, v5  }
0x8d: {  	v5 =	vor.u32 v2, v5  }
0x8e: {  	v7 =	vshll.u32 v37, $0x3  }
0x8f: {  	v38 =	vand.u32 $0x72, v37;
	v7 =	vand.u32 $0xC00, v7  }
0x90: {  	v7 =	vor.u32 v38, v7  }
0x91: {  	v8 =	vor.u32 v3, v7;
	v6 =	vld.idx.msk [tilespmem:v6+s12+$0x0], $0xffff  }
0x92: {  	s31 =	sadd.s32 $0x3, s1;
	v7 =	vor.u32 v4, v7;
	v5 =	vld.idx.msk [tilespmem:v5+s12+$0x0], $0xffff  }
0x93: {  	v39 =	vmov s31;
	_ =	sdelay $0x2  }
0x94: {  	[tilespmem:v8+s28+$0x0] =	vst.idx.msk $0xffff, v6  }
0x95: {  	[tilespmem:v7+s28+$0x0] =	vst.idx.msk $0xffff, v5  }
0x96: {  	v5 =	vld.idx.msk [tilespmem:v39+s3+$0x0], $0xffff;
	_ =	sdelay $0x4  }
0x97: {  	v5 =	vand.u32 $0x7F, v5  }
0x98: {  	v6 =	vor.u32 v1, v5  }
0x99: {  	v5 =	vor.u32 v2, v5  }
0x9a: {  	v7 =	vshll.u32 v39, $0x3  }
0x9b: {  	v40 =	vand.u32 $0x73, v39;
	v7 =	vand.u32 $0xC00, v7  }
0x9c: {  	v7 =	vor.u32 v40, v7  }
0x9d: {  	v8 =	vor.u32 v3, v7;
	v6 =	vld.idx.msk [tilespmem:v6+s13+$0x0], $0xffff  }
0x9e: {  	s31 =	sadd.s32 $0x4, s1;
	v7 =	vor.u32 v4, v7;
	v5 =	vld.idx.msk [tilespmem:v5+s13+$0x0], $0xffff  }
0x9f: {  	v41 =	vmov s31;
	_ =	sdelay $0x2  }
0xa0: {  	[tilespmem:v8+s28+$0x0] =	vst.idx.msk $0xffff, v6  }
0xa1: {  	[tilespmem:v7+s28+$0x0] =	vst.idx.msk $0xffff, v5  }
0xa2: {  	v5 =	vld.idx.msk [tilespmem:v41+s3+$0x0], $0xffff;
	_ =	sdelay $0x4  }
0xa3: {  	v5 =	vand.u32 $0x7F, v5  }
0xa4: {  	v6 =	vor.u32 v1, v5  }
0xa5: {  	v5 =	vor.u32 v2, v5  }
0xa6: {  	v7 =	vshll.u32 v41, $0x3  }
0xa7: {  	v42 =	vand.u32 $0x74, v41;
	v7 =	vand.u32 $0xC00, v7  }
0xa8: {  	v7 =	vor.u32 v42, v7  }
0xa9: {  	v8 =	vor.u32 v3, v7;
	v6 =	vld.idx.msk [tilespmem:v6+s14+$0x0], $0xffff  }
0xaa: {  	s31 =	sadd.s32 $0x5, s1;
	v7 =	vor.u32 v4, v7;
	v5 =	vld.idx.msk [tilespmem:v5+s14+$0x0], $0xffff  }
0xab: {  	v43 =	vmov s31;
	_ =	sdelay $0x2  }
0xac: {  	[tilespmem:v8+s28+$0x0] =	vst.idx.msk $0xffff, v6  }
0xad: {  	[tilespmem:v7+s28+$0x0] =	vst.idx.msk $0xffff, v5  }
0xae: {  	v5 =	vld.idx.msk [tilespmem:v43+s3+$0x0], $0xffff;
	_ =	sdelay $0x4  }
0xaf: {  	v5 =	vand.u32 $0x7F, v5  }
0xb0: {  	v6 =	vor.u32 v1, v5  }
0xb1: {  	v5 =	vor.u32 v2, v5  }
0xb2: {  	v7 =	vshll.u32 v43, $0x3  }
0xb3: {  	v44 =	vand.u32 $0x75, v43;
	v7 =	vand.u32 $0xC00, v7  }
0xb4: {  	v7 =	vor.u32 v44, v7  }
0xb5: {  	v8 =	vor.u32 v3, v7;
	v6 =	vld.idx.msk [tilespmem:v6+s15+$0x0], $0xffff  }
0xb6: {  	s31 =	sadd.s32 $0x6, s1;
	v7 =	vor.u32 v4, v7;
	v5 =	vld.idx.msk [tilespmem:v5+s15+$0x0], $0xffff  }
0xb7: {  	v45 =	vmov s31;
	_ =	sdelay $0x2  }
0xb8: {  	[tilespmem:v8+s28+$0x0] =	vst.idx.msk $0xffff, v6  }
0xb9: {  	[tilespmem:v7+s28+$0x0] =	vst.idx.msk $0xffff, v5  }
0xba: {  	v5 =	vld.idx.msk [tilespmem:v45+s3+$0x0], $0xffff;
	_ =	sdelay $0x4  }
0xbb: {  	v5 =	vand.u32 $0x7F, v5  }
0xbc: {  	v6 =	vor.u32 v1, v5  }
0xbd: {  	v5 =	vor.u32 v2, v5  }
0xbe: {  	v7 =	vshll.u32 v45, $0x3  }
0xbf: {  	v46 =	vand.u32 $0x76, v45;
	v7 =	vand.u32 $0xC00, v7  }
0xc0: {  	v7 =	vor.u32 v46, v7  }
0xc1: {  	v8 =	vor.u32 v3, v7;
	v6 =	vld.idx.msk [tilespmem:v6+s16+$0x0], $0xffff  }
0xc2: {  	s31 =	sadd.s32 $0x7, s1;
	v7 =	vor.u32 v4, v7;
	v5 =	vld.idx.msk [tilespmem:v5+s16+$0x0], $0xffff  }
0xc3: {  	v47 =	vmov s31;
	_ =	sdelay $0x2  }
0xc4: {  	[tilespmem:v8+s28+$0x0] =	vst.idx.msk $0xffff, v6  }
0xc5: {  	[tilespmem:v7+s28+$0x0] =	vst.idx.msk $0xffff, v5  }
0xc6: {  	v5 =	vld.idx.msk [tilespmem:v47+s3+$0x0], $0xffff;
	_ =	sdelay $0x4  }
0xc7: {  	v5 =	vand.u32 $0x7F, v5  }
0xc8: {  	v6 =	vor.u32 v1, v5  }
0xc9: {  	v5 =	vor.u32 v2, v5  }
0xca: {  	v7 =	vshll.u32 v47, $0x3  }
0xcb: {  	v48 =	vand.u32 $0x77, v47;
	v7 =	vand.u32 $0xC00, v7  }
0xcc: {  	v7 =	vor.u32 v48, v7  }
0xcd: {  	v8 =	vor.u32 v3, v7;
	v6 =	vld.idx.msk [tilespmem:v6+s17+$0x0], $0xffff  }
0xce: {  	v7 =	vor.u32 v4, v7;
	v5 =	vld.idx.msk [tilespmem:v5+s17+$0x0], $0xffff;
	_ =	sdelay $0x2  }
0xcf: {  	s30 =	sadd.s32 $0x40, s30  }
0xd0: {  	s31 =	sand.u32 $0x7C0, s30;
	[tilespmem:v8+s28+$0x0] =	vst.idx.msk $0xffff, v6  }
0xd1: {  	s31 =	sshrl.u32 s31, $0x2;
	[tilespmem:v7+s28+$0x0] =	vst.idx.msk $0xffff, v5  }
0xd2: {  	v5 =	vld [tilespmem:s31+$0x0];
	_ =	sdelay $0x4  }
0xd3: {  	(v2sf) =	vpush v5, $0x0;
	_ =	sdelay $0x3  }
0xd4: {  	(v2sf) =	vpush v5, $0x1;
	_ =	sdelay $0x3  }
0xd5: {  	(v2sf) =	vpush v5, $0x2;
	_ =	sdelay $0x3  }
0xd6: {  	(v2sf) =	vpush v5, $0x3;
	_ =	sdelay $0x2  }
0xd7: {  	s31 =	spop (v2sf)  }
0xd8: {  	(v2sf) =	vpush v5, $0x4;
	s31 =	sand.u32 $0xFFFFF80, s31  }
0xd9: {  	s31 =	sadd.s32 s0, s31  }
0xda: {  	[tilespmem:s10], [sflag:$0x1] =	stream.strided.gather [hbm4b:s31+s7], $0x1000, s9, s7, $0x38;
	[tilespmem:$0x14280] =	vst v63  }
0xdb: {  	s31 =	spop (v2sf)  }
0xdc: {  	(v2sf) =	vpush v5, $0x5;
	s31 =	sand.u32 $0xFFFFF80, s31  }
0xdd: {  	s31 =	sadd.s32 s0, s31  }
0xde: {  	[tilespmem:s11], [sflag:$0x1] =	stream.strided.gather [hbm4b:s31+s7], $0x1000, s9, s7, $0x38;
	[tilespmem:$0x14280] =	vst v63  }
0xdf: {  	s31 =	spop (v2sf)  }
0xe0: {  	(v2sf) =	vpush v5, $0x6;
	s31 =	sand.u32 $0xFFFFF80, s31  }
0xe1: {  	s31 =	sadd.s32 s0, s31  }
0xe2: {  	[tilespmem:s12], [sflag:$0x1] =	stream.strided.gather [hbm4b:s31+s7], $0x1000, s9, s7, $0x38;
	[tilespmem:$0x14280] =	vst v63  }
0xe3: {  	s31 =	spop (v2sf)  }
0xe4: {  	(v2sf) =	vpush v5, $0x7;
	s31 =	sand.u32 $0xFFFFF80, s31  }
0xe5: {  	s31 =	sadd.s32 s0, s31  }
0xe6: {  	[tilespmem:s13], [sflag:$0x1] =	stream.strided.gather [hbm4b:s31+s7], $0x1000, s9, s7, $0x38;
	[tilespmem:$0x14280] =	vst v63  }
0xe7: {  	s31 =	spop (v2sf)  }
0xe8: {  	s31 =	sand.u32 $0xFFFFF80, s31  }
0xe9: {  	s31 =	sadd.s32 s0, s31  }
0xea: {  	[tilespmem:s14], [sflag:$0x1] =	stream.strided.gather [hbm4b:s31+s7], $0x1000, s9, s7, $0x38;
	[tilespmem:$0x14280] =	vst v63  }
0xeb: {  	s31 =	spop (v2sf)  }
0xec: {  	s31 =	sand.u32 $0xFFFFF80, s31  }
0xed: {  	s31 =	sadd.s32 s0, s31  }
0xee: {  	[tilespmem:s15], [sflag:$0x1] =	stream.strided.gather [hbm4b:s31+s7], $0x1000, s9, s7, $0x38;
	[tilespmem:$0x14280] =	vst v63  }
0xef: {  	s31 =	spop (v2sf)  }
0xf0: {  	s31 =	sand.u32 $0xFFFFF80, s31  }
0xf1: {  	s31 =	sadd.s32 s0, s31  }
0xf2: {  	[tilespmem:s16], [sflag:$0x1] =	stream.strided.gather [hbm4b:s31+s7], $0x1000, s9, s7, $0x38;
	[tilespmem:$0x14280] =	vst v63  }
0xf3: {  	s31 =	spop (v2sf)  }
0xf4: {  	s31 =	sand.u32 $0xFFFFF80, s31  }
0xf5: {  	s31 =	sadd.s32 s0, s31  }
0xf6: {  	[tilespmem:s17], [sflag:$0x1] =	stream.strided.gather [hbm4b:s31+s7], $0x1000, s9, s7, $0x38;
	[tilespmem:$0x14280] =	vst v63  }
0xf7: {  	_ =	swait.ge [sflag:s29], $0x1000  }
0xf8: {  	[sflag:s29] =	ssyncset.done $0x0  }
0xf9: {  	[sflag:s29] =	ssyncadd.s32 $0xFFFFF000  }
0xfa: {  	_ =	swait.ge [sflag:s29], $0x1000  }
0xfb: {  	[sflag:s29] =	ssyncset.done $0x0  }
0xfc: {  	[sflag:s29] =	ssyncadd.s32 $0xFFFFF000  }
0xfd: {  	_ =	swait.ge [sflag:s29], $0x1000  }
0xfe: {  	[sflag:s29] =	ssyncset.done $0x0  }
0xff: {  	[sflag:s29] =	ssyncadd.s32 $0xFFFFF000  }
0x100: {  	_ =	swait.ge [sflag:s29], $0x1000  }
0x101: {  	[sflag:s29] =	ssyncset.done $0x0  }
0x102: {  	[sflag:s29] =	ssyncadd.s32 $0xFFFFF000  }
0x103: {  	_ =	swait.ge [sflag:s29], $0x1000  }
0x104: {  	[sflag:s29] =	ssyncset.done $0x0  }
0x105: {  	[sflag:s29] =	ssyncadd.s32 $0xFFFFF000  }
0x106: {  	_ =	swait.ge [sflag:s29], $0x1000  }
0x107: {  	[sflag:s29] =	ssyncset.done $0x0  }
0x108: {  	[sflag:s29] =	ssyncadd.s32 $0xFFFFF000  }
0x109: {  	s31 =	sadd.s32 $0x8, s1;
	_ =	swait.ge [sflag:s29], $0x1000  }
0x10a: {  	v5 =	vmov s31;
	[sflag:s29] =	ssyncset.done $0x0  }
0x10b: {  	[sflag:s29] =	ssyncadd.s32 $0xFFFFF000  }
0x10c: {  	_ =	swait.ge [sflag:s29], $0x1000  }
0x10d: {  	[sflag:s29] =	ssyncset.done $0x0  }
0x10e: {  	[sflag:s29] =	ssyncadd.s32 $0xFFFFF000  }
0x10f: {  	v6 =	vld.idx.msk [tilespmem:v5+s3+$0x0], $0xffff;
	_ =	sdelay $0x4  }
0x110: {  	v6 =	vand.u32 $0x7F, v6  }
0x111: {  	v7 =	vor.u32 v1, v6  }
0x112: {  	v6 =	vor.u32 v2, v6  }
0x113: {  	v49 =	vshll.u32 v5, $0x3  }
0x114: {  	v8 =	vand.u32 $0xC00, v49;
	v5 =	vand.u32 $0x78, v5  }
0x115: {  	v5 =	vor.u32 v5, v8  }
0x116: {  	v8 =	vor.u32 v3, v5;
	v7 =	vld.idx.msk [tilespmem:v7+s18+$0x0], $0xffff  }
0x117: {  	s31 =	sadd.s32 $0x9, s1;
	v5 =	vor.u32 v4, v5;
	v6 =	vld.idx.msk [tilespmem:v6+s18+$0x0], $0xffff  }
0x118: {  	v50 =	vmov s31;
	_ =	sdelay $0x2  }
0x119: {  	[tilespmem:v8+s28+$0x0] =	vst.idx.msk $0xffff, v7  }
0x11a: {  	[tilespmem:v5+s28+$0x0] =	vst.idx.msk $0xffff, v6  }
0x11b: {  	v5 =	vld.idx.msk [tilespmem:v50+s3+$0x0], $0xffff;
	_ =	sdelay $0x4  }
0x11c: {  	v5 =	vand.u32 $0x7F, v5  }
0x11d: {  	v6 =	vor.u32 v1, v5  }
0x11e: {  	v5 =	vor.u32 v2, v5  }
0x11f: {  	v7 =	vshll.u32 v50, $0x3  }
0x120: {  	v51 =	vand.u32 $0x79, v50;
	v7 =	vand.u32 $0xC00, v7  }
0x121: {  	v7 =	vor.u32 v51, v7  }
0x122: {  	v8 =	vor.u32 v3, v7;
	v6 =	vld.idx.msk [tilespmem:v6+s19+$0x0], $0xffff  }
0x123: {  	s31 =	sadd.s32 $0xA, s1;
	v7 =	vor.u32 v4, v7;
	v5 =	vld.idx.msk [tilespmem:v5+s19+$0x0], $0xffff  }
0x124: {  	v52 =	vmov s31;
	_ =	sdelay $0x2  }
0x125: {  	[tilespmem:v8+s28+$0x0] =	vst.idx.msk $0xffff, v6  }
0x126: {  	[tilespmem:v7+s28+$0x0] =	vst.idx.msk $0xffff, v5  }
0x127: {  	v5 =	vld.idx.msk [tilespmem:v52+s3+$0x0], $0xffff;
	_ =	sdelay $0x4  }
0x128: {  	v5 =	vand.u32 $0x7F, v5  }
0x129: {  	v6 =	vor.u32 v1, v5  }
0x12a: {  	v5 =	vor.u32 v2, v5  }
0x12b: {  	v7 =	vshll.u32 v52, $0x3  }
0x12c: {  	v53 =	vand.u32 $0x7A, v52;
	v7 =	vand.u32 $0xC00, v7  }
0x12d: {  	v7 =	vor.u32 v53, v7  }
0x12e: {  	v8 =	vor.u32 v3, v7;
	v6 =	vld.idx.msk [tilespmem:v6+s20+$0x0], $0xffff  }
0x12f: {  	s31 =	sadd.s32 $0xB, s1;
	v7 =	vor.u32 v4, v7;
	v5 =	vld.idx.msk [tilespmem:v5+s20+$0x0], $0xffff  }
0x130: {  	v54 =	vmov s31;
	_ =	sdelay $0x2  }
0x131: {  	[tilespmem:v8+s28+$0x0] =	vst.idx.msk $0xffff, v6  }
0x132: {  	[tilespmem:v7+s28+$0x0] =	vst.idx.msk $0xffff, v5  }
0x133: {  	v5 =	vld.idx.msk [tilespmem:v54+s3+$0x0], $0xffff;
	_ =	sdelay $0x4  }
0x134: {  	v5 =	vand.u32 $0x7F, v5  }
0x135: {  	v6 =	vor.u32 v1, v5  }
0x136: {  	v5 =	vor.u32 v2, v5  }
0x137: {  	v7 =	vshll.u32 v54, $0x3  }
0x138: {  	v55 =	vand.u32 $0x7B, v54;
	v7 =	vand.u32 $0xC00, v7  }
0x139: {  	v7 =	vor.u32 v55, v7  }
0x13a: {  	v8 =	vor.u32 v3, v7;
	v6 =	vld.idx.msk [tilespmem:v6+s21+$0x0], $0xffff  }
0x13b: {  	s31 =	sadd.s32 $0xC, s1;
	v7 =	vor.u32 v4, v7;
	v5 =	vld.idx.msk [tilespmem:v5+s21+$0x0], $0xffff  }
0x13c: {  	v56 =	vmov s31;
	_ =	sdelay $0x2  }
0x13d: {  	[tilespmem:v8+s28+$0x0] =	vst.idx.msk $0xffff, v6  }
0x13e: {  	[tilespmem:v7+s28+$0x0] =	vst.idx.msk $0xffff, v5  }
0x13f: {  	v5 =	vld.idx.msk [tilespmem:v56+s3+$0x0], $0xffff;
	_ =	sdelay $0x4  }
0x140: {  	v5 =	vand.u32 $0x7F, v5  }
0x141: {  	v6 =	vor.u32 v1, v5  }
0x142: {  	v5 =	vor.u32 v2, v5  }
0x143: {  	v7 =	vshll.u32 v56, $0x3  }
0x144: {  	v57 =	vand.u32 $0x7C, v56;
	v7 =	vand.u32 $0xC00, v7  }
0x145: {  	v7 =	vor.u32 v57, v7  }
0x146: {  	v8 =	vor.u32 v3, v7;
	v6 =	vld.idx.msk [tilespmem:v6+s22+$0x0], $0xffff  }
0x147: {  	s31 =	sadd.s32 $0xD, s1;
	v7 =	vor.u32 v4, v7;
	v5 =	vld.idx.msk [tilespmem:v5+s22+$0x0], $0xffff  }
0x148: {  	v58 =	vmov s31;
	_ =	sdelay $0x2  }
0x149: {  	[tilespmem:v8+s28+$0x0] =	vst.idx.msk $0xffff, v6  }
0x14a: {  	[tilespmem:v7+s28+$0x0] =	vst.idx.msk $0xffff, v5  }
0x14b: {  	v5 =	vld.idx.msk [tilespmem:v58+s3+$0x0], $0xffff;
	_ =	sdelay $0x4  }
0x14c: {  	v5 =	vand.u32 $0x7F, v5  }
0x14d: {  	v6 =	vor.u32 v1, v5  }
0x14e: {  	v5 =	vor.u32 v2, v5  }
0x14f: {  	v7 =	vshll.u32 v58, $0x3  }
0x150: {  	v59 =	vand.u32 $0x7D, v58;
	v7 =	vand.u32 $0xC00, v7  }
0x151: {  	v7 =	vor.u32 v59, v7  }
0x152: {  	v8 =	vor.u32 v3, v7;
	v6 =	vld.idx.msk [tilespmem:v6+s23+$0x0], $0xffff  }
0x153: {  	s31 =	sadd.s32 $0xE, s1;
	v7 =	vor.u32 v4, v7;
	v5 =	vld.idx.msk [tilespmem:v5+s23+$0x0], $0xffff  }
0x154: {  	v60 =	vmov s31;
	_ =	sdelay $0x2  }
0x155: {  	[tilespmem:v8+s28+$0x0] =	vst.idx.msk $0xffff, v6  }
0x156: {  	[tilespmem:v7+s28+$0x0] =	vst.idx.msk $0xffff, v5  }
0x157: {  	v5 =	vld.idx.msk [tilespmem:v60+s3+$0x0], $0xffff;
	_ =	sdelay $0x4  }
0x158: {  	v5 =	vand.u32 $0x7F, v5  }
0x159: {  	v6 =	vor.u32 v1, v5  }
0x15a: {  	v5 =	vor.u32 v2, v5  }
0x15b: {  	v7 =	vshll.u32 v60, $0x3  }
0x15c: {  	v61 =	vand.u32 $0x7E, v60;
	v7 =	vand.u32 $0xC00, v7  }
0x15d: {  	v7 =	vor.u32 v61, v7  }
0x15e: {  	v8 =	vor.u32 v3, v7;
	v6 =	vld.idx.msk [tilespmem:v6+s24+$0x0], $0xffff  }
0x15f: {  	s31 =	sadd.s32 $0xF, s1;
	v7 =	vor.u32 v4, v7;
	v5 =	vld.idx.msk [tilespmem:v5+s24+$0x0], $0xffff  }
0x160: {  	v62 =	vmov s31;
	_ =	sdelay $0x2  }
0x161: {  	[tilespmem:v8+s28+$0x0] =	vst.idx.msk $0xffff, v6  }
0x162: {  	[tilespmem:v7+s28+$0x0] =	vst.idx.msk $0xffff, v5  }
0x163: {  	v5 =	vld.idx.msk [tilespmem:v62+s3+$0x0], $0xffff;
	_ =	sdelay $0x4  }
0x164: {  	v5 =	vand.u32 $0x7F, v5  }
0x165: {  	v6 =	vor.u32 v1, v5  }
0x166: {  	v5 =	vor.u32 v2, v5  }
0x167: {  	v7 =	vshll.u32 v62, $0x3  }
0x168: {  	v63 =	vand.u32 $0x7F, v62;
	v7 =	vand.u32 $0xC00, v7  }
0x169: {  	v7 =	vor.u32 v63, v7  }
0x16a: {  	v8 =	vor.u32 v3, v7;
	v6 =	vld.idx.msk [tilespmem:v6+s25+$0x0], $0xffff  }
0x16b: {  	p0 =	sne.s32 s1, $0x1F0;
	v7 =	vor.u32 v4, v7;
	v5 =	vld.idx.msk [tilespmem:v5+s25+$0x0], $0xffff  }
.Ltmp0:
0x16c: {  	_ = 	snop;
	(pc) =	sbr.rel @p0 .LBB2_2-.Ltmp0, $3  }
0x16d: {  	_ =	sdelay $0x1  }
0x16e: {  	[tilespmem:v8+s28+$0x0] =	vst.idx.msk $0xffff, v6  }
0x16f: {  	s1 =	sadd.s32 $0x10, s1;
	[tilespmem:v7+s28+$0x0] =	vst.idx.msk $0xffff, v5  }
0x170: {  	_ =	swait.ge [sflag:s26], $0x1000  }
0x171: {  	[sflag:s26] =	ssyncset.done $0x0  }
0x172: {  	[sflag:s26] =	ssyncadd.s32 $0xFFFFF000  }
0x173: {  	_ =	swait.ge [sflag:s26], $0x1000  }
0x174: {  	[sflag:s26] =	ssyncset.done $0x0  }
0x175: {  	[sflag:s26] =	ssyncadd.s32 $0xFFFFF000  }
0x176: {  	_ =	swait.ge [sflag:s26], $0x1000  }
0x177: {  	[sflag:s26] =	ssyncset.done $0x0  }
0x178: {  	[sflag:s26] =	ssyncadd.s32 $0xFFFFF000  }
0x179: {  	_ =	swait.ge [sflag:s26], $0x1000  }
0x17a: {  	[sflag:s26] =	ssyncset.done $0x0  }
0x17b: {  	[sflag:s26] =	ssyncadd.s32 $0xFFFFF000  }
0x17c: {  	_ =	swait.ge [sflag:s26], $0x1000  }
0x17d: {  	[sflag:s26] =	ssyncset.done $0x0  }
0x17e: {  	[sflag:s26] =	ssyncadd.s32 $0xFFFFF000  }
0x17f: {  	_ =	swait.ge [sflag:s26], $0x1000  }
0x180: {  	[sflag:s26] =	ssyncset.done $0x0  }
0x181: {  	[sflag:s26] =	ssyncadd.s32 $0xFFFFF000  }
0x182: {  	_ =	swait.ge [sflag:s26], $0x1000  }
0x183: {  	[sflag:s26] =	ssyncset.done $0x0  }
0x184: {  	[sflag:s26] =	ssyncadd.s32 $0xFFFFF000  }
0x185: {  	s2 =	sadd.s32 $0x1, s2;
	_ =	swait.ge [sflag:s26], $0x1000  }
0x186: {  	s1 =	simm.s32 $0x1000;
	p0 =	sne.s32 s2, s6;
	[sflag:s26] =	ssyncset.done $0x0  }
.Ltmp1:
0x187: {  	s30 =	simm.s32 $0x20000;
	[sflag:s26] =	ssyncadd.s32 $0xFFFFF000;
	(pc) =	sbr.rel @p0 .LBB2_1-.Ltmp1, $4  }
0x188: {  	[hbm4b:s5+s1] =	stream.strided.scatter [tilespmem:s28], [sflag:$0x3], $0x4000, s30, s1, $0x38;
	[tilespmem:$0x14280] =	vst v63  }
0x189: {  	_ =	swait.ge [sflag:s8], $0x4000  }
0x18a: {  	[sflag:s8] =	ssyncset.done $0x0  }
0x18b: {  	[sflag:s8] =	ssyncadd.s32 $0xFFFFC000  }
0x18c: {  	_ =	sfence.sel $0x180000  }
0x18d: {  	[bflag:$0x0] =	sbarrier.arrive $0xFFFF  }
0x18e: {  	_ =	strace $0x90000047  }
0x18f: {  	s0 =	stileid.u32;
	[bflag:$0x2] =	sbarrier.arrive $0xFFFF  }
0x190: {  	p0 =	sne.s32 s0, $0x0;
	s0 =	rddreg [dreg:$0x3]  }
0x191: {  	s0 =	sadd.s32 @!p0 $0x100000, s0  }
0x192: {  	[sflag:s0] =	ssyncadd.tile.s32 @!p0 $0x1;
	_ =	shalt  }
.Lfunc_end2:
_tile_overlayer_lowered:
.L_overlay_start_2:
0x193: {  	(tag) =	ssettag $0x2  }
0x194: {  	s0 =	rddreg [dreg:$0x0];
	s2 =	stileid.u32  }
0x195: {  	s1 =	rddreg [dreg:$0x1];
	p0 =	sne.s32 s2, $0x0  }
0x196: {  	s3 =	rddreg [dreg:$0x2];
	[bflag:$0x3] =	sbarrier.arrive $0xFFFF;
	s2 =	simm.s32 @!p0 $0x1C03  }
0x197: {  	[timem:s3], [sflag:s2] =	dma.local @!p0 [hbm:s0], s1  }
0x198: {  	s0 =	simm.s32 @!p0 $0x3  }
0x199: {  	_ =	swait.ge @!p0 [sflag:s0], s1  }
0x19a: {  	s1 =	ssub.s32 @!p0 $0x0, s1;
	[sflag:s0] =	ssyncset.done @!p0 $0x0  }
0x19b: {  	[sflag:s0] =	ssyncadd.s32 @!p0 s1  }
0x19c: {  	[bflag:$0x3] =	sbarrier.arrive $0xFFFF  }
0x19d: {  	_ =	shalt  }

</sc_bundles>
